<compile_context>
chip_gen: v7x
topology: tpu7x:2x2x1
jax: 0.10.2.dev20260603
libtpu: 0.0.44.dev20260713+nightly
codegen_flags: <defaults>
</compile_context>

<pallas_src>
import functools

import jax
import jax.numpy as jnp
from jax import lax
from jax.experimental import pallas as pl
from jax.experimental.pallas import tpu as pltpu
from jax.experimental.pallas import tpu_sc as plsc

NP = 10240
BN = 1024
NC = 2
NS = 16
K = 80


def _make_agg(E, F, with_counts, staged=False):
    NW = NC * NS
    EPW = E // NW
    NCH = EPW // K
    RPT = NP // NS
    mesh = plsc.VectorSubcoreMesh(core_axis_name="c", subcore_axis_name="s")

    out_type = [jax.ShapeDtypeStruct((NC, NP, F), jnp.float32)]
    if with_counts:
        out_type.append(jax.ShapeDtypeStruct((NC, NP), jnp.float32))

    scratch = [
        pltpu.VMEM((NCH, K), jnp.int32),
        pltpu.VMEM((K,), jnp.int32),
        pltpu.VMEM((K,), jnp.int32),
        pltpu.VMEM((K, F), jnp.float32),
        pltpu.VMEM((K, F), jnp.float32),
        pltpu.VMEM((K,), jnp.float32),
        pltpu.VMEM_SHARED((NP, F) if staged else (1, 1), jnp.float32),
        pltpu.VMEM_SHARED((NP, F), jnp.float32),
        pltpu.VMEM_SHARED((NP,), jnp.float32),
        pltpu.SemaphoreType.DMA,
        pltpu.SemaphoreType.DMA,
        pltpu.SemaphoreType.DMA,
        pltpu.SemaphoreType.DMA,
        pltpu.SemaphoreType.DMA,
        pltpu.SemaphoreType.DMA,
    ]

    def body(p_hbm, src_hbm, dst_hbm, z2_hbm, z1_hbm, ones_hbm,
             *refs):
        if with_counts:
            s_hbm, cnt_hbm = refs[0], refs[1]
            scr = refs[2:]
        else:
            s_hbm = refs[0]
            cnt_hbm = None
            scr = refs[1:]
        (srcidx, dst_a, dst_b, rows_a, rows_b, onesbuf, tbl, acc, cntacc,
         sem_a, sem_b, sem_da, sem_db, sem_sa, sem_sb) = scr
        c = lax.axis_index("c")
        s = lax.axis_index("s")
        w = s * NC + c
        row0 = s * RPT
        pltpu.sync_copy(src_hbm.at[w], srcidx)
        if staged:
            pltpu.sync_copy(p_hbm.at[pl.ds(row0, RPT)],
                            tbl.at[pl.ds(row0, RPT)])
        pltpu.sync_copy(z2_hbm, acc.at[pl.ds(row0, RPT)])
        if with_counts:
            pltpu.sync_copy(z1_hbm, cntacc.at[pl.ds(row0, RPT)])
            pltpu.sync_copy(ones_hbm, onesbuf)
        plsc.subcore_barrier()

        gsrc = tbl if staged else p_hbm

        def gather(j, rows, sem):
            pltpu.async_copy(gsrc.at[srcidx.at[j]], rows, sem)

        ebase = w * EPW

        def dcopy(j, dbuf, sem):
            pltpu.async_copy(dst_hbm.at[pl.ds(ebase + j * K, K)], dbuf, sem)

        def gwait(rows, dbuf, sem, dsem):
            pltpu.make_async_copy(gsrc.at[srcidx.at[0]], rows, sem).wait()
            pltpu.make_async_copy(dst_hbm.at[pl.ds(0, K)], dbuf, dsem).wait()

        def scat(rows, dbuf, sem):
            pltpu.async_copy(rows, acc.at[dbuf], sem, add=True)
            if with_counts:
                pltpu.async_copy(onesbuf, cntacc.at[dbuf], sem, add=True)

        def swait(rows, dbuf, sem):
            pltpu.make_async_copy(rows, acc.at[dbuf], sem).wait()
            if with_counts:
                pltpu.make_async_copy(onesbuf, cntacc.at[dbuf], sem).wait()

        def fetch_b(j, carry):
            gather(j, rows_b, sem_b)
            dcopy(j, dst_b, sem_db)
            return carry

        def fetch_a(j, carry):
            gather(j, rows_a, sem_a)
            dcopy(j, dst_a, sem_da)
            return carry

        fetch_a(0, 0)
        lax.fori_loop(1, 2, fetch_b, 0)

        def step(i, carry):
            j = 2 * i
            gwait(rows_a, dst_a, sem_a, sem_da)
            scat(rows_a, dst_a, sem_sa)
            gwait(rows_b, dst_b, sem_b, sem_db)
            scat(rows_b, dst_b, sem_sb)
            swait(rows_a, dst_a, sem_sa)
            fetch_a(j + 2, 0)
            swait(rows_b, dst_b, sem_sb)
            fetch_b(j + 3, 0)
            return carry

        lax.fori_loop(0, (NCH - 3) // 2, step, 0)
        gwait(rows_a, dst_a, sem_a, sem_da)
        scat(rows_a, dst_a, sem_sa)
        gwait(rows_b, dst_b, sem_b, sem_db)
        scat(rows_b, dst_b, sem_sb)
        swait(rows_a, dst_a, sem_sa)
        lax.fori_loop(NCH - 1, NCH, fetch_a, 0)
        gwait(rows_a, dst_a, sem_a, sem_da)
        scat(rows_a, dst_a, sem_sa)
        swait(rows_b, dst_b, sem_sb)
        swait(rows_a, dst_a, sem_sa)
        plsc.subcore_barrier()
        pltpu.sync_copy(acc.at[pl.ds(row0, RPT)],
                        s_hbm.at[c].at[pl.ds(row0, RPT)])
        if with_counts:
            pltpu.sync_copy(cntacc.at[pl.ds(row0, RPT)],
                            cnt_hbm.at[c].at[pl.ds(row0, RPT)])

    return pl.kernel(body, out_type=out_type, mesh=mesh,
                     scratch_types=scratch,
                     compiler_params=pltpu.CompilerParams(
                         use_tc_tiling_on_sc=(F % 128 == 0)))


def _mm_split_body(h1, x_ref, w_ref, p_ref, r_ref):
    acc = jnp.dot(x_ref[...], w_ref[...],
                  preferred_element_type=jnp.float32,
                  precision=lax.Precision.HIGHEST)
    p_ref[...] = acc[:, :h1]
    r_ref[...] = acc[:, h1:]


def _mm_split(x, w, h1):
    n, d = x.shape
    h2 = w.shape[1] - h1
    grid = n // BN
    return pl.pallas_call(
        functools.partial(_mm_split_body, h1),
        grid=(grid,),
        in_specs=[pl.BlockSpec((BN, d), lambda i: (i, 0)),
                  pl.BlockSpec(w.shape, lambda i: (0, 0))],
        out_specs=[pl.BlockSpec((BN, h1), lambda i: (i, 0)),
                   pl.BlockSpec((BN, h2), lambda i: (i, 0))],
        out_shape=[jax.ShapeDtypeStruct((n, h1), jnp.float32),
                   jax.ShapeDtypeStruct((n, h2), jnp.float32)],
    )(x, w)


def _layer_mid_body(h1, sp_ref, cnt_ref, b_ref, r_ref, w_ref,
                    p_ref, r2_ref):
    ssum = sp_ref[0] + sp_ref[1]
    cnt = cnt_ref[0] + cnt_ref[1]
    inv = 1.0 / jnp.maximum(cnt, 1.0)
    h = jnp.maximum(ssum * inv[:, None] + b_ref[...] + r_ref[...], 0.0)
    acc = jnp.dot(h, w_ref[...], preferred_element_type=jnp.float32,
                  precision=lax.Precision.HIGHEST)
    p_ref[...] = acc[:, :h1]
    r2_ref[...] = acc[:, h1:]


def _layer_mid(sp, cnt, b, r, w, h1):
    n = sp.shape[1]
    d = sp.shape[2]
    h2 = w.shape[1] - h1
    grid = n // BN
    return pl.pallas_call(
        functools.partial(_layer_mid_body, h1),
        grid=(grid,),
        in_specs=[pl.BlockSpec((NC, BN, d), lambda i: (0, i, 0)),
                  pl.BlockSpec((NC, BN), lambda i: (0, i)),
                  pl.BlockSpec((1, d), lambda i: (0, 0)),
                  pl.BlockSpec((BN, d), lambda i: (i, 0)),
                  pl.BlockSpec(w.shape, lambda i: (0, 0))],
        out_specs=[pl.BlockSpec((BN, h1), lambda i: (i, 0)),
                   pl.BlockSpec((BN, h2), lambda i: (i, 0))],
        out_shape=[jax.ShapeDtypeStruct((n, h1), jnp.float32),
                   jax.ShapeDtypeStruct((n, h2), jnp.float32)],
    )(sp, cnt, b, r, w)


def _final_body(sp_ref, cnt_ref, b_ref, r_ref, o_ref):
    ssum = sp_ref[0] + sp_ref[1]
    cnt = cnt_ref[0] + cnt_ref[1]
    inv = 1.0 / jnp.maximum(cnt, 1.0)
    o_ref[...] = ssum * inv[:, None] + b_ref[...] + r_ref[...]


def _final(sp, cnt, b, r):
    n = sp.shape[1]
    c = sp.shape[2]
    grid = n // BN
    return pl.pallas_call(
        _final_body,
        grid=(grid,),
        in_specs=[pl.BlockSpec((NC, BN, c), lambda i: (0, i, 0)),
                  pl.BlockSpec((NC, BN), lambda i: (0, i)),
                  pl.BlockSpec((1, c), lambda i: (0, 0)),
                  pl.BlockSpec((BN, c), lambda i: (i, 0))],
        out_specs=pl.BlockSpec((BN, c), lambda i: (i, 0)),
        out_shape=jax.ShapeDtypeStruct((n, c), jnp.float32),
    )(sp, cnt, b, r)


def kernel(x, edge_index, W1l, W1r, b1, W2l, W2r, b2):
    n, d = x.shape
    h = W1l.shape[1]
    c = W2l.shape[1]
    e = edge_index.shape[1]

    xp = jnp.pad(x, ((0, NP - n), (0, 0)))
    nw = NC * NS
    nch = e // (nw * K)
    src = edge_index[0].reshape(nw, nch, K)
    dst = edge_index[1]
    z2h = jnp.zeros((NP // NS, h), jnp.float32)
    z2c = jnp.zeros((NP // NS, c), jnp.float32)
    z1 = jnp.zeros((NP // NS,), jnp.float32)
    ones = jnp.ones((K,), jnp.float32)

    w1 = jnp.concatenate([W1l, W1r], axis=1)
    w2 = jnp.concatenate([W2l, W2r], axis=1)

    p1, r1 = _mm_split(xp, w1, h)
    s1, cnt = _make_agg(e, h, True)(p1, src, dst, z2h, z1, ones)
    p2, r2 = _layer_mid(s1, cnt, b1.reshape(1, -1), r1, w2, c)
    (s2,) = _make_agg(e, c, False, staged=True)(p2, src, dst, z2c, z1, ones)
    out = _final(s2, cnt, b2.reshape(1, -1), r2)
    return out[:n]

# --- scband reference (transcript-rebuilt; emitter-appended) ---
"""Pipeline reference for scband-graph-sage-60859686584876 (READ-ONLY COPY).

The authoritative reference and input builder live on the scoring server;
editing this copy changes nothing except your own understanding.
"""

import jax, jax.numpy as jnp
import numpy as np

N = 10000
E = 320000
D = 128
H = 128
C = 64


def setup_inputs(seed: int = 0) -> dict:
    key = jax.random.key(seed)
    ks = jax.random.split(key, 8)
    x = jax.random.normal(ks[0], (N, D), dtype=jnp.float32)
    edge_index = jax.random.randint(ks[1], (2, E), 0, N, dtype=jnp.int32)
    # SAGEConv layer 1: lin_l (applied to aggregated neighbors, has bias), lin_r (root weight, no bias)
    W1l = jax.random.normal(ks[2], (D, H), dtype=jnp.float32) * 0.05
    W1r = jax.random.normal(ks[3], (D, H), dtype=jnp.float32) * 0.05
    b1 = jnp.zeros((H,), dtype=jnp.float32)
    # SAGEConv layer 2
    W2l = jax.random.normal(ks[4], (H, C), dtype=jnp.float32) * 0.05
    W2r = jax.random.normal(ks[5], (H, C), dtype=jnp.float32) * 0.05
    b2 = jnp.zeros((C,), dtype=jnp.float32)
    return {"x": x, "edge_index": edge_index, "W1l": W1l, "W1r": W1r, "b1": b1,
            "W2l": W2l, "W2r": W2r, "b2": b2}


def _sage_conv(x, edge_index, Wl, Wr, b):
    # PyG SAGEConv with aggr='mean': out = lin_l(mean_{j in N(i)} x_j) + lin_r(x_i)
    src = edge_index[0]
    dst = edge_index[1]
    msg = jnp.take(x, src, axis=0)                      # gather
    summed = jax.ops.segment_sum(msg, dst, num_segments=x.shape[0])   # scatter-add
    cnt = jax.ops.segment_sum(jnp.ones((edge_index.shape[1],), dtype=x.dtype), dst,
                              num_segments=x.shape[0])
    mean = summed / jnp.clip(cnt, 1.0, None)[:, None]
    return mean @ Wl + b + x @ Wr


def reference(x, edge_index, W1l, W1r, b1, W2l, W2r, b2):
    # eval mode: F.dropout(..., training=False) is identity
    h = _sage_conv(x, edge_index, W1l, W1r, b1)
    h = jax.nn.relu(h)
    out = _sage_conv(h, edge_index, W2l, W2r, b2)
    return out

if __name__ == "__main__":
    import jax
    _d = setup_inputs()
    print(jax.jit(kernel)(*tuple(_d.values())))

</pallas_src>

<mosaic_0001>
#map = affine_map<(d0, d1) -> (0, 0)>
#map1 = affine_map<(d0, d1) -> (0, 0, 0)>
#map2 = affine_map<(d0, d1) -> (0)>
module attributes {stable_mosaic.version = 14 : i64} {
  func.func @body(%arg0: i32, %arg1: i32, %arg2: memref<10240x128xf32, #tpu.memory_space<hbm>>, %arg3: memref<32x125x80xi32, #tpu.memory_space<hbm>>, %arg4: memref<320000xi32, #tpu.memory_space<hbm>>, %arg5: memref<640x128xf32, #tpu.memory_space<hbm>>, %arg6: memref<640xf32, #tpu.memory_space<hbm>>, %arg7: memref<80xf32, #tpu.memory_space<hbm>>, %arg8: memref<2x10240x128xf32, #tpu.memory_space<hbm>>, %arg9: memref<2x10240xf32, #tpu.memory_space<hbm>>, %arg10: memref<125x80xi32, #tpu.memory_space<vmem>>, %arg11: memref<80xi32, #tpu.memory_space<vmem>>, %arg12: memref<80xi32, #tpu.memory_space<vmem>>, %arg13: memref<80x128xf32, #tpu.memory_space<vmem>>, %arg14: memref<80x128xf32, #tpu.memory_space<vmem>>, %arg15: memref<80xf32, #tpu.memory_space<vmem>>, %arg16: memref<1x1xf32, #tpu.memory_space<vmem_shared>>, %arg17: memref<10240x128xf32, #tpu.memory_space<vmem_shared>>, %arg18: memref<10240xf32, #tpu.memory_space<vmem_shared>>, %arg19: memref<!tpu.dma_semaphore, #tpu.memory_space<semaphore_mem>>, %arg20: memref<!tpu.dma_semaphore, #tpu.memory_space<semaphore_mem>>, %arg21: memref<!tpu.dma_semaphore, #tpu.memory_space<semaphore_mem>>, %arg22: memref<!tpu.dma_semaphore, #tpu.memory_space<semaphore_mem>>, %arg23: memref<!tpu.dma_semaphore, #tpu.memory_space<semaphore_mem>>, %arg24: memref<!tpu.dma_semaphore, #tpu.memory_space<semaphore_mem>>) attributes {dimension_semantics = [#tpu.dimension_semantics<core_parallel>, #tpu.dimension_semantics<subcore_parallel>], iteration_bounds = array<i64: 2, 16>, scalar_prefetch = 0 : i64, scratch_operands = 15 : i64, tpu.core_type = #tpu.core_type<sc_vector_subcore>, window_params = [{transform_indices = #map}, {transform_indices = #map1}, {transform_indices = #map2}, {transform_indices = #map}, {transform_indices = #map2}, {transform_indices = #map2}, {transform_indices = #map1}, {transform_indices = #map}]} {
    %mul3A = arith.constant 2 : i32
    %mul3A_0 = arith.muli %arg1, %mul3A : i32
    %add3A = arith.addi %mul3A_0, %arg0 : i32
    %mul3A_1 = arith.constant 640 : i32
    %mul3A_2 = arith.muli %arg1, %mul3A_1 : i32
    "tpu.region"() ({
      %run_scoped3A = tpu.sem_alloc : memref<!tpu.dma_semaphore, #tpu.memory_space<semaphore_mem>>
      %dma_start3A_111 = arith.constant 0 : i32
      %dma_start3A_112 = arith.constant 0 : i32
      %dma_start3A_113 = tpu.memref_slice %arg3[%add3A, %dma_start3A_111, %dma_start3A_112] : memref<32x125x80xi32, #tpu.memory_space<hbm>> -> memref<1x125x80xi32, #tpu.memory_space<hbm>>
      %dma_start3A_114 = tpu.memref_squeeze %dma_start3A_113 : memref<1x125x80xi32, #tpu.memory_space<hbm>> -> memref<125x80xi32, #tpu.memory_space<hbm>>
      %dma_start3A_115 = arith.constant 0 : i32
      %dma_start3A_116 = arith.constant 0 : i32
      %dma_start3A_117 = tpu.memref_slice %arg3[%add3A, %dma_start3A_115, %dma_start3A_116] : memref<32x125x80xi32, #tpu.memory_space<hbm>> -> memref<1x125x80xi32, #tpu.memory_space<hbm>>
      %dma_start3A_118 = tpu.memref_squeeze %dma_start3A_117 : memref<1x125x80xi32, #tpu.memory_space<hbm>> -> memref<125x80xi32, #tpu.memory_space<hbm>>
      tpu.enqueue_dma source(%dma_start3A_118 : memref<125x80xi32, #tpu.memory_space<hbm>>) target(%arg10 : memref<125x80xi32, #tpu.memory_space<vmem>>) target_semaphore(%run_scoped3A : memref<!tpu.dma_semaphore, #tpu.memory_space<semaphore_mem>>)
      %dma_wait3A_119 = arith.constant 0 : i32
      %dma_wait3A_120 = arith.constant 0 : i32
      %dma_wait3A_121 = tpu.memref_slice %arg3[%add3A, %dma_wait3A_119, %dma_wait3A_120] : memref<32x125x80xi32, #tpu.memory_space<hbm>> -> memref<1x125x80xi32, #tpu.memory_space<hbm>>
      %dma_wait3A_122 = tpu.memref_squeeze %dma_wait3A_121 : memref<1x125x80xi32, #tpu.memory_space<hbm>> -> memref<125x80xi32, #tpu.memory_space<hbm>>
      %dma_wait3A_123 = arith.constant 0 : i32
      %dma_wait3A_124 = arith.constant 0 : i32
      %dma_wait3A_125 = tpu.memref_slice %arg3[%add3A, %dma_wait3A_123, %dma_wait3A_124] : memref<32x125x80xi32, #tpu.memory_space<hbm>> -> memref<1x125x80xi32, #tpu.memory_space<hbm>>
      %dma_wait3A_126 = tpu.memref_squeeze %dma_wait3A_125 : memref<1x125x80xi32, #tpu.memory_space<hbm>> -> memref<125x80xi32, #tpu.memory_space<hbm>>
      tpu.wait_dma2 semaphore(%run_scoped3A : memref<!tpu.dma_semaphore, #tpu.memory_space<semaphore_mem>>) src(%dma_wait3A_126 : memref<125x80xi32, #tpu.memory_space<hbm>>) dst(%arg10 : memref<125x80xi32, #tpu.memory_space<vmem>>)
      tpu.yield
    }) : () -> ()
    "tpu.region"() ({
      %run_scoped3A = tpu.sem_alloc : memref<!tpu.dma_semaphore, #tpu.memory_space<semaphore_mem>>
      %dma_start3A_111 = arith.constant 0 : i32
      %dma_start3A_112 = tpu.memref_slice %arg17[%mul3A_2, %dma_start3A_111] : memref<10240x128xf32, #tpu.memory_space<vmem_shared>> -> memref<640x128xf32, #tpu.memory_space<vmem_shared>>
      tpu.enqueue_dma source(%arg5 : memref<640x128xf32, #tpu.memory_space<hbm>>) target(%dma_start3A_112 : memref<640x128xf32, #tpu.memory_space<vmem_shared>>) target_semaphore(%run_scoped3A : memref<!tpu.dma_semaphore, #tpu.memory_space<semaphore_mem>>)
      %dma_wait3A_113 = arith.constant 0 : i32
      %dma_wait3A_114 = tpu.memref_slice %arg17[%mul3A_2, %dma_wait3A_113] : memref<10240x128xf32, #tpu.memory_space<vmem_shared>> -> memref<640x128xf32, #tpu.memory_space<vmem_shared>>
      tpu.wait_dma2 semaphore(%run_scoped3A : memref<!tpu.dma_semaphore, #tpu.memory_space<semaphore_mem>>) src(%arg5 : memref<640x128xf32, #tpu.memory_space<hbm>>) dst(%dma_wait3A_114 : memref<640x128xf32, #tpu.memory_space<vmem_shared>>)
      tpu.yield
    }) : () -> ()
    "tpu.region"() ({
      %run_scoped3A = tpu.sem_alloc : memref<!tpu.dma_semaphore, #tpu.memory_space<semaphore_mem>>
      %dma_start3A_111 = tpu.memref_slice %arg18[%mul3A_2] : memref<10240xf32, #tpu.memory_space<vmem_shared>> -> memref<640xf32, #tpu.memory_space<vmem_shared>>
      tpu.enqueue_dma source(%arg6 : memref<640xf32, #tpu.memory_space<hbm>>) target(%dma_start3A_111 : memref<640xf32, #tpu.memory_space<vmem_shared>>) target_semaphore(%run_scoped3A : memref<!tpu.dma_semaphore, #tpu.memory_space<semaphore_mem>>)
      %dma_wait3A_112 = tpu.memref_slice %arg18[%mul3A_2] : memref<10240xf32, #tpu.memory_space<vmem_shared>> -> memref<640xf32, #tpu.memory_space<vmem_shared>>
      tpu.wait_dma2 semaphore(%run_scoped3A : memref<!tpu.dma_semaphore, #tpu.memory_space<semaphore_mem>>) src(%arg6 : memref<640xf32, #tpu.memory_space<hbm>>) dst(%dma_wait3A_112 : memref<640xf32, #tpu.memory_space<vmem_shared>>)
      tpu.yield
    }) : () -> ()
    "tpu.region"() ({
      %run_scoped3A = tpu.sem_alloc : memref<!tpu.dma_semaphore, #tpu.memory_space<semaphore_mem>>
      tpu.enqueue_dma source(%arg7 : memref<80xf32, #tpu.memory_space<hbm>>) target(%arg15 : memref<80xf32, #tpu.memory_space<vmem>>) target_semaphore(%run_scoped3A : memref<!tpu.dma_semaphore, #tpu.memory_space<semaphore_mem>>)
      tpu.wait_dma2 semaphore(%run_scoped3A : memref<!tpu.dma_semaphore, #tpu.memory_space<semaphore_mem>>) src(%arg7 : memref<80xf32, #tpu.memory_space<hbm>>) dst(%arg15 : memref<80xf32, #tpu.memory_space<vmem>>)
      tpu.yield
    }) : () -> ()
    %barrier3A = arith.constant 0 : index
    tpu.barrier barrier_id(%barrier3A)
    %mul3A_3 = arith.constant 10000 : i32
    %mul3A_4 = arith.muli %add3A, %mul3A_3 : i32
    %dma_start3A = arith.constant 0 : i32
    %dma_start3A_5 = arith.constant 0 : i32
    %dma_start3A_6 = tpu.memref_slice %arg10[%dma_start3A, %dma_start3A_5] : memref<125x80xi32, #tpu.memory_space<vmem>> -> memref<1x80xi32, #tpu.memory_space<vmem>>
    %dma_start3A_7 = tpu.memref_squeeze %dma_start3A_6 : memref<1x80xi32, #tpu.memory_space<vmem>> -> memref<80xi32, #tpu.memory_space<vmem>>
    %dma_start3A_8 = arith.constant 0 : i32
    %dma_start3A_9 = arith.constant 0 : i32
    %dma_start3A_10 = tpu.memref_slice %arg2[%dma_start3A_8, %dma_start3A_9] : memref<10240x128xf32, #tpu.memory_space<hbm>> -> memref<10240x128xf32, #tpu.memory_space<hbm>>
    tpu.enqueue_indirect_dma source(%dma_start3A_10 : memref<10240x128xf32, #tpu.memory_space<hbm>>) target(%arg13 : memref<80x128xf32, #tpu.memory_space<vmem>>) offsets(%dma_start3A_7 : memref<80xi32, #tpu.memory_space<vmem>>) semaphore(%arg19 : memref<!tpu.dma_semaphore, #tpu.memory_space<semaphore_mem>>)
    %add3A_11 = arith.constant 0 : i32
    %add3A_12 = arith.addi %mul3A_4, %add3A_11 : i32
    %dma_start3A_13 = tpu.memref_slice %arg4[%add3A_12] : memref<320000xi32, #tpu.memory_space<hbm>> -> memref<80xi32, #tpu.memory_space<hbm>>
    %dma_start3A_14 = tpu.memref_slice %arg4[%add3A_12] : memref<320000xi32, #tpu.memory_space<hbm>> -> memref<80xi32, #tpu.memory_space<hbm>>
    tpu.enqueue_dma source(%dma_start3A_14 : memref<80xi32, #tpu.memory_space<hbm>>) target(%arg11 : memref<80xi32, #tpu.memory_space<vmem>>) target_semaphore(%arg21 : memref<!tpu.dma_semaphore, #tpu.memory_space<semaphore_mem>>)
    %scan3A = arith.constant 0 : i32
    %scan3A_15 = arith.constant 1 : i32
    %dma_start3A_16 = arith.constant 0 : i32
    %dma_start3A_17 = tpu.memref_slice %arg10[%scan3A_15, %dma_start3A_16] : memref<125x80xi32, #tpu.memory_space<vmem>> -> memref<1x80xi32, #tpu.memory_space<vmem>>
    %dma_start3A_18 = tpu.memref_squeeze %dma_start3A_17 : memref<1x80xi32, #tpu.memory_space<vmem>> -> memref<80xi32, #tpu.memory_space<vmem>>
    %dma_start3A_19 = arith.constant 0 : i32
    %dma_start3A_20 = arith.constant 0 : i32
    %dma_start3A_21 = tpu.memref_slice %arg2[%dma_start3A_19, %dma_start3A_20] : memref<10240x128xf32, #tpu.memory_space<hbm>> -> memref<10240x128xf32, #tpu.memory_space<hbm>>
    tpu.enqueue_indirect_dma source(%dma_start3A_21 : memref<10240x128xf32, #tpu.memory_space<hbm>>) target(%arg14 : memref<80x128xf32, #tpu.memory_space<vmem>>) offsets(%dma_start3A_18 : memref<80xi32, #tpu.memory_space<vmem>>) semaphore(%arg20 : memref<!tpu.dma_semaphore, #tpu.memory_space<semaphore_mem>>)
    %mul3A_22 = arith.constant 80 : i32
    %mul3A_23 = arith.muli %scan3A_15, %mul3A_22 : i32
    %add3A_24 = arith.addi %mul3A_4, %mul3A_23 : i32
    %dma_start3A_25 = tpu.memref_slice %arg4[%add3A_24] : memref<320000xi32, #tpu.memory_space<hbm>> -> memref<80xi32, #tpu.memory_space<hbm>>
    %dma_start3A_26 = tpu.memref_slice %arg4[%add3A_24] : memref<320000xi32, #tpu.memory_space<hbm>> -> memref<80xi32, #tpu.memory_space<hbm>>
    tpu.enqueue_dma source(%dma_start3A_26 : memref<80xi32, #tpu.memory_space<hbm>>) target(%arg12 : memref<80xi32, #tpu.memory_space<vmem>>) target_semaphore(%arg22 : memref<!tpu.dma_semaphore, #tpu.memory_space<semaphore_mem>>)
    %scan3A_27 = arith.constant 1 : i32
    %scan3A_28 = arith.constant 0 : i32
    %scan3A_29 = arith.constant 0 : i32
    %scan3A_30 = arith.constant 61 : i32
    %scan3A_31 = arith.addi %scan3A_29, %scan3A_30 : i32
    %scan3A_32 = arith.constant 1 : i32
    scf.for %scan3A_111 = %scan3A_29 to %scan3A_31 step %scan3A_32  : i32 {
      %mul3A_112 = arith.constant 2 : i32
      %mul3A_113 = arith.muli %mul3A_112, %scan3A_111 : i32
      %dma_wait3A_114 = arith.constant 0 : i32
      %dma_wait3A_115 = arith.constant 0 : i32
      %dma_wait3A_116 = tpu.memref_slice %arg10[%dma_wait3A_114, %dma_wait3A_115] : memref<125x80xi32, #tpu.memory_space<vmem>> -> memref<1x80xi32, #tpu.memory_space<vmem>>
      %dma_wait3A_117 = tpu.memref_squeeze %dma_wait3A_116 : memref<1x80xi32, #tpu.memory_space<vmem>> -> memref<80xi32, #tpu.memory_space<vmem>>
      %dma_wait3A_118 = arith.constant 0 : i32
      %dma_wait3A_119 = arith.constant 0 : i32
      %dma_wait3A_120 = tpu.memref_slice %arg2[%dma_wait3A_118, %dma_wait3A_119] : memref<10240x128xf32, #tpu.memory_space<hbm>> -> memref<10240x128xf32, #tpu.memory_space<hbm>>
      tpu.wait_indirect_dma semaphore(%arg19 : memref<!tpu.dma_semaphore, #tpu.memory_space<semaphore_mem>>) src(%dma_wait3A_120 : memref<10240x128xf32, #tpu.memory_space<hbm>>) dst(%arg13 : memref<80x128xf32, #tpu.memory_space<vmem>>)
      %dma_wait3A_121 = arith.constant 0 : i32
      %dma_wait3A_122 = tpu.memref_slice %arg4[%dma_wait3A_121] : memref<320000xi32, #tpu.memory_space<hbm>> -> memref<80xi32, #tpu.memory_space<hbm>>
      %dma_wait3A_123 = arith.constant 0 : i32
      %dma_wait3A_124 = tpu.memref_slice %arg4[%dma_wait3A_123] : memref<320000xi32, #tpu.memory_space<hbm>> -> memref<80xi32, #tpu.memory_space<hbm>>
      tpu.wait_dma2 semaphore(%arg21 : memref<!tpu.dma_semaphore, #tpu.memory_space<semaphore_mem>>) src(%dma_wait3A_124 : memref<80xi32, #tpu.memory_space<hbm>>) dst(%arg11 : memref<80xi32, #tpu.memory_space<vmem>>)
      %dma_start3A_125 = arith.constant 0 : i32
      %dma_start3A_126 = arith.constant 0 : i32
      %dma_start3A_127 = tpu.memref_slice %arg17[%dma_start3A_125, %dma_start3A_126] : memref<10240x128xf32, #tpu.memory_space<vmem_shared>> -> memref<10240x128xf32, #tpu.memory_space<vmem_shared>>
      tpu.enqueue_indirect_dma source(%arg13 : memref<80x128xf32, #tpu.memory_space<vmem>>) target(%dma_start3A_127 : memref<10240x128xf32, #tpu.memory_space<vmem_shared>>) offsets(%arg11 : memref<80xi32, #tpu.memory_space<vmem>>) semaphore(%arg23 : memref<!tpu.dma_semaphore, #tpu.memory_space<semaphore_mem>>) {add = true}
      %dma_start3A_128 = arith.constant 0 : i32
      %dma_start3A_129 = tpu.memref_slice %arg18[%dma_start3A_128] : memref<10240xf32, #tpu.memory_space<vmem_shared>> -> memref<10240xf32, #tpu.memory_space<vmem_shared>>
      tpu.enqueue_indirect_dma source(%arg15 : memref<80xf32, #tpu.memory_space<vmem>>) target(%dma_start3A_129 : memref<10240xf32, #tpu.memory_space<vmem_shared>>) offsets(%arg11 : memref<80xi32, #tpu.memory_space<vmem>>) semaphore(%arg23 : memref<!tpu.dma_semaphore, #tpu.memory_space<semaphore_mem>>) {add = true}
      %dma_wait3A_130 = arith.constant 0 : i32
      %dma_wait3A_131 = arith.constant 0 : i32
      %dma_wait3A_132 = tpu.memref_slice %arg10[%dma_wait3A_130, %dma_wait3A_131] : memref<125x80xi32, #tpu.memory_space<vmem>> -> memref<1x80xi32, #tpu.memory_space<vmem>>
      %dma_wait3A_133 = tpu.memref_squeeze %dma_wait3A_132 : memref<1x80xi32, #tpu.memory_space<vmem>> -> memref<80xi32, #tpu.memory_space<vmem>>
      %dma_wait3A_134 = arith.constant 0 : i32
      %dma_wait3A_135 = arith.constant 0 : i32
      %dma_wait3A_136 = tpu.memref_slice %arg2[%dma_wait3A_134, %dma_wait3A_135] : memref<10240x128xf32, #tpu.memory_space<hbm>> -> memref<10240x128xf32, #tpu.memory_space<hbm>>
      tpu.wait_indirect_dma semaphore(%arg20 : memref<!tpu.dma_semaphore, #tpu.memory_space<semaphore_mem>>) src(%dma_wait3A_136 : memref<10240x128xf32, #tpu.memory_space<hbm>>) dst(%arg14 : memref<80x128xf32, #tpu.memory_space<vmem>>)
      %dma_wait3A_137 = arith.constant 0 : i32
      %dma_wait3A_138 = tpu.memref_slice %arg4[%dma_wait3A_137] : memref<320000xi32, #tpu.memory_space<hbm>> -> memref<80xi32, #tpu.memory_space<hbm>>
      %dma_wait3A_139 = arith.constant 0 : i32
      %dma_wait3A_140 = tpu.memref_slice %arg4[%dma_wait3A_139] : memref<320000xi32, #tpu.memory_space<hbm>> -> memref<80xi32, #tpu.memory_space<hbm>>
      tpu.wait_dma2 semaphore(%arg22 : memref<!tpu.dma_semaphore, #tpu.memory_space<semaphore_mem>>) src(%dma_wait3A_140 : memref<80xi32, #tpu.memory_space<hbm>>) dst(%arg12 : memref<80xi32, #tpu.memory_space<vmem>>)
      %dma_start3A_141 = arith.constant 0 : i32
      %dma_start3A_142 = arith.constant 0 : i32
      %dma_start3A_143 = tpu.memref_slice %arg17[%dma_start3A_141, %dma_start3A_142] : memref<10240x128xf32, #tpu.memory_space<vmem_shared>> -> memref<10240x128xf32, #tpu.memory_space<vmem_shared>>
      tpu.enqueue_indirect_dma source(%arg14 : memref<80x128xf32, #tpu.memory_space<vmem>>) target(%dma_start3A_143 : memref<10240x128xf32, #tpu.memory_space<vmem_shared>>) offsets(%arg12 : memref<80xi32, #tpu.memory_space<vmem>>) semaphore(%arg24 : memref<!tpu.dma_semaphore, #tpu.memory_space<semaphore_mem>>) {add = true}
      %dma_start3A_144 = arith.constant 0 : i32
      %dma_start3A_145 = tpu.memref_slice %arg18[%dma_start3A_144] : memref<10240xf32, #tpu.memory_space<vmem_shared>> -> memref<10240xf32, #tpu.memory_space<vmem_shared>>
      tpu.enqueue_indirect_dma source(%arg15 : memref<80xf32, #tpu.memory_space<vmem>>) target(%dma_start3A_145 : memref<10240xf32, #tpu.memory_space<vmem_shared>>) offsets(%arg12 : memref<80xi32, #tpu.memory_space<vmem>>) semaphore(%arg24 : memref<!tpu.dma_semaphore, #tpu.memory_space<semaphore_mem>>) {add = true}
      %dma_wait3A_146 = arith.constant 0 : i32
      %dma_wait3A_147 = arith.constant 0 : i32
      %dma_wait3A_148 = tpu.memref_slice %arg17[%dma_wait3A_146, %dma_wait3A_147] : memref<10240x128xf32, #tpu.memory_space<vmem_shared>> -> memref<10240x128xf32, #tpu.memory_space<vmem_shared>>
      tpu.wait_indirect_dma semaphore(%arg23 : memref<!tpu.dma_semaphore, #tpu.memory_space<semaphore_mem>>) src(%arg13 : memref<80x128xf32, #tpu.memory_space<vmem>>) dst(%dma_wait3A_148 : memref<10240x128xf32, #tpu.memory_space<vmem_shared>>)
      %dma_wait3A_149 = arith.constant 0 : i32
      %dma_wait3A_150 = tpu.memref_slice %arg18[%dma_wait3A_149] : memref<10240xf32, #tpu.memory_space<vmem_shared>> -> memref<10240xf32, #tpu.memory_space<vmem_shared>>
      tpu.wait_indirect_dma semaphore(%arg23 : memref<!tpu.dma_semaphore, #tpu.memory_space<semaphore_mem>>) src(%arg15 : memref<80xf32, #tpu.memory_space<vmem>>) dst(%dma_wait3A_150 : memref<10240xf32, #tpu.memory_space<vmem_shared>>)
      %add3A_151 = arith.constant 2 : i32
      %add3A_152 = arith.addi %mul3A_113, %add3A_151 : i32
      %dma_start3A_153 = arith.constant 0 : i32
      %dma_start3A_154 = tpu.memref_slice %arg10[%add3A_152, %dma_start3A_153] : memref<125x80xi32, #tpu.memory_space<vmem>> -> memref<1x80xi32, #tpu.memory_space<vmem>>
      %dma_start3A_155 = tpu.memref_squeeze %dma_start3A_154 : memref<1x80xi32, #tpu.memory_space<vmem>> -> memref<80xi32, #tpu.memory_space<vmem>>
      %dma_start3A_156 = arith.constant 0 : i32
      %dma_start3A_157 = arith.constant 0 : i32
      %dma_start3A_158 = tpu.memref_slice %arg2[%dma_start3A_156, %dma_start3A_157] : memref<10240x128xf32, #tpu.memory_space<hbm>> -> memref<10240x128xf32, #tpu.memory_space<hbm>>
      tpu.enqueue_indirect_dma source(%dma_start3A_158 : memref<10240x128xf32, #tpu.memory_space<hbm>>) target(%arg13 : memref<80x128xf32, #tpu.memory_space<vmem>>) offsets(%dma_start3A_155 : memref<80xi32, #tpu.memory_space<vmem>>) semaphore(%arg19 : memref<!tpu.dma_semaphore, #tpu.memory_space<semaphore_mem>>)
      %mul3A_159 = arith.constant 80 : i32
      %mul3A_160 = arith.muli %add3A_152, %mul3A_159 : i32
      %add3A_161 = arith.addi %mul3A_4, %mul3A_160 : i32
      %dma_start3A_162 = tpu.memref_slice %arg4[%add3A_161] : memref<320000xi32, #tpu.memory_space<hbm>> -> memref<80xi32, #tpu.memory_space<hbm>>
      %dma_start3A_163 = tpu.memref_slice %arg4[%add3A_161] : memref<320000xi32, #tpu.memory_space<hbm>> -> memref<80xi32, #tpu.memory_space<hbm>>
      tpu.enqueue_dma source(%dma_start3A_163 : memref<80xi32, #tpu.memory_space<hbm>>) target(%arg11 : memref<80xi32, #tpu.memory_space<vmem>>) target_semaphore(%arg21 : memref<!tpu.dma_semaphore, #tpu.memory_space<semaphore_mem>>)
      %dma_wait3A_164 = arith.constant 0 : i32
      %dma_wait3A_165 = arith.constant 0 : i32
      %dma_wait3A_166 = tpu.memref_slice %arg17[%dma_wait3A_164, %dma_wait3A_165] : memref<10240x128xf32, #tpu.memory_space<vmem_shared>> -> memref<10240x128xf32, #tpu.memory_space<vmem_shared>>
      tpu.wait_indirect_dma semaphore(%arg24 : memref<!tpu.dma_semaphore, #tpu.memory_space<semaphore_mem>>) src(%arg14 : memref<80x128xf32, #tpu.memory_space<vmem>>) dst(%dma_wait3A_166 : memref<10240x128xf32, #tpu.memory_space<vmem_shared>>)
      %dma_wait3A_167 = arith.constant 0 : i32
      %dma_wait3A_168 = tpu.memref_slice %arg18[%dma_wait3A_167] : memref<10240xf32, #tpu.memory_space<vmem_shared>> -> memref<10240xf32, #tpu.memory_space<vmem_shared>>
      tpu.wait_indirect_dma semaphore(%arg24 : memref<!tpu.dma_semaphore, #tpu.memory_space<semaphore_mem>>) src(%arg15 : memref<80xf32, #tpu.memory_space<vmem>>) dst(%dma_wait3A_168 : memref<10240xf32, #tpu.memory_space<vmem_shared>>)
      %add3A_169 = arith.constant 3 : i32
      %add3A_170 = arith.addi %mul3A_113, %add3A_169 : i32
      %dma_start3A_171 = arith.constant 0 : i32
      %dma_start3A_172 = tpu.memref_slice %arg10[%add3A_170, %dma_start3A_171] : memref<125x80xi32, #tpu.memory_space<vmem>> -> memref<1x80xi32, #tpu.memory_space<vmem>>
      %dma_start3A_173 = tpu.memref_squeeze %dma_start3A_172 : memref<1x80xi32, #tpu.memory_space<vmem>> -> memref<80xi32, #tpu.memory_space<vmem>>
      %dma_start3A_174 = arith.constant 0 : i32
      %dma_start3A_175 = arith.constant 0 : i32
      %dma_start3A_176 = tpu.memref_slice %arg2[%dma_start3A_174, %dma_start3A_175] : memref<10240x128xf32, #tpu.memory_space<hbm>> -> memref<10240x128xf32, #tpu.memory_space<hbm>>
      tpu.enqueue_indirect_dma source(%dma_start3A_176 : memref<10240x128xf32, #tpu.memory_space<hbm>>) target(%arg14 : memref<80x128xf32, #tpu.memory_space<vmem>>) offsets(%dma_start3A_173 : memref<80xi32, #tpu.memory_space<vmem>>) semaphore(%arg20 : memref<!tpu.dma_semaphore, #tpu.memory_space<semaphore_mem>>)
      %mul3A_177 = arith.constant 80 : i32
      %mul3A_178 = arith.muli %add3A_170, %mul3A_177 : i32
      %add3A_179 = arith.addi %mul3A_4, %mul3A_178 : i32
      %dma_start3A_180 = tpu.memref_slice %arg4[%add3A_179] : memref<320000xi32, #tpu.memory_space<hbm>> -> memref<80xi32, #tpu.memory_space<hbm>>
      %dma_start3A_181 = tpu.memref_slice %arg4[%add3A_179] : memref<320000xi32, #tpu.memory_space<hbm>> -> memref<80xi32, #tpu.memory_space<hbm>>
      tpu.enqueue_dma source(%dma_start3A_181 : memref<80xi32, #tpu.memory_space<hbm>>) target(%arg12 : memref<80xi32, #tpu.memory_space<vmem>>) target_semaphore(%arg22 : memref<!tpu.dma_semaphore, #tpu.memory_space<semaphore_mem>>)
    }
    %scan3A_33 = arith.constant 61 : i32
    %dma_wait3A = arith.constant 0 : i32
    %dma_wait3A_34 = arith.constant 0 : i32
    %dma_wait3A_35 = tpu.memref_slice %arg10[%dma_wait3A, %dma_wait3A_34] : memref<125x80xi32, #tpu.memory_space<vmem>> -> memref<1x80xi32, #tpu.memory_space<vmem>>
    %dma_wait3A_36 = tpu.memref_squeeze %dma_wait3A_35 : memref<1x80xi32, #tpu.memory_space<vmem>> -> memref<80xi32, #tpu.memory_space<vmem>>
    %dma_wait3A_37 = arith.constant 0 : i32
    %dma_wait3A_38 = arith.constant 0 : i32
    %dma_wait3A_39 = tpu.memref_slice %arg2[%dma_wait3A_37, %dma_wait3A_38] : memref<10240x128xf32, #tpu.memory_space<hbm>> -> memref<10240x128xf32, #tpu.memory_space<hbm>>
    tpu.wait_indirect_dma semaphore(%arg19 : memref<!tpu.dma_semaphore, #tpu.memory_space<semaphore_mem>>) src(%dma_wait3A_39 : memref<10240x128xf32, #tpu.memory_space<hbm>>) dst(%arg13 : memref<80x128xf32, #tpu.memory_space<vmem>>)
    %dma_wait3A_40 = arith.constant 0 : i32
    %dma_wait3A_41 = tpu.memref_slice %arg4[%dma_wait3A_40] : memref<320000xi32, #tpu.memory_space<hbm>> -> memref<80xi32, #tpu.memory_space<hbm>>
    %dma_wait3A_42 = arith.constant 0 : i32
    %dma_wait3A_43 = tpu.memref_slice %arg4[%dma_wait3A_42] : memref<320000xi32, #tpu.memory_space<hbm>> -> memref<80xi32, #tpu.memory_space<hbm>>
    tpu.wait_dma2 semaphore(%arg21 : memref<!tpu.dma_semaphore, #tpu.memory_space<semaphore_mem>>) src(%dma_wait3A_43 : memref<80xi32, #tpu.memory_space<hbm>>) dst(%arg11 : memref<80xi32, #tpu.memory_space<vmem>>)
    %dma_start3A_44 = arith.constant 0 : i32
    %dma_start3A_45 = arith.constant 0 : i32
    %dma_start3A_46 = tpu.memref_slice %arg17[%dma_start3A_44, %dma_start3A_45] : memref<10240x128xf32, #tpu.memory_space<vmem_shared>> -> memref<10240x128xf32, #tpu.memory_space<vmem_shared>>
    tpu.enqueue_indirect_dma source(%arg13 : memref<80x128xf32, #tpu.memory_space<vmem>>) target(%dma_start3A_46 : memref<10240x128xf32, #tpu.memory_space<vmem_shared>>) offsets(%arg11 : memref<80xi32, #tpu.memory_space<vmem>>) semaphore(%arg23 : memref<!tpu.dma_semaphore, #tpu.memory_space<semaphore_mem>>) {add = true}
    %dma_start3A_47 = arith.constant 0 : i32
    %dma_start3A_48 = tpu.memref_slice %arg18[%dma_start3A_47] : memref<10240xf32, #tpu.memory_space<vmem_shared>> -> memref<10240xf32, #tpu.memory_space<vmem_shared>>
    tpu.enqueue_indirect_dma source(%arg15 : memref<80xf32, #tpu.memory_space<vmem>>) target(%dma_start3A_48 : memref<10240xf32, #tpu.memory_space<vmem_shared>>) offsets(%arg11 : memref<80xi32, #tpu.memory_space<vmem>>) semaphore(%arg23 : memref<!tpu.dma_semaphore, #tpu.memory_space<semaphore_mem>>) {add = true}
    %dma_wait3A_49 = arith.constant 0 : i32
    %dma_wait3A_50 = arith.constant 0 : i32
    %dma_wait3A_51 = tpu.memref_slice %arg10[%dma_wait3A_49, %dma_wait3A_50] : memref<125x80xi32, #tpu.memory_space<vmem>> -> memref<1x80xi32, #tpu.memory_space<vmem>>
    %dma_wait3A_52 = tpu.memref_squeeze %dma_wait3A_51 : memref<1x80xi32, #tpu.memory_space<vmem>> -> memref<80xi32, #tpu.memory_space<vmem>>
    %dma_wait3A_53 = arith.constant 0 : i32
    %dma_wait3A_54 = arith.constant 0 : i32
    %dma_wait3A_55 = tpu.memref_slice %arg2[%dma_wait3A_53, %dma_wait3A_54] : memref<10240x128xf32, #tpu.memory_space<hbm>> -> memref<10240x128xf32, #tpu.memory_space<hbm>>
    tpu.wait_indirect_dma semaphore(%arg20 : memref<!tpu.dma_semaphore, #tpu.memory_space<semaphore_mem>>) src(%dma_wait3A_55 : memref<10240x128xf32, #tpu.memory_space<hbm>>) dst(%arg14 : memref<80x128xf32, #tpu.memory_space<vmem>>)
    %dma_wait3A_56 = arith.constant 0 : i32
    %dma_wait3A_57 = tpu.memref_slice %arg4[%dma_wait3A_56] : memref<320000xi32, #tpu.memory_space<hbm>> -> memref<80xi32, #tpu.memory_space<hbm>>
    %dma_wait3A_58 = arith.constant 0 : i32
    %dma_wait3A_59 = tpu.memref_slice %arg4[%dma_wait3A_58] : memref<320000xi32, #tpu.memory_space<hbm>> -> memref<80xi32, #tpu.memory_space<hbm>>
    tpu.wait_dma2 semaphore(%arg22 : memref<!tpu.dma_semaphore, #tpu.memory_space<semaphore_mem>>) src(%dma_wait3A_59 : memref<80xi32, #tpu.memory_space<hbm>>) dst(%arg12 : memref<80xi32, #tpu.memory_space<vmem>>)
    %dma_start3A_60 = arith.constant 0 : i32
    %dma_start3A_61 = arith.constant 0 : i32
    %dma_start3A_62 = tpu.memref_slice %arg17[%dma_start3A_60, %dma_start3A_61] : memref<10240x128xf32, #tpu.memory_space<vmem_shared>> -> memref<10240x128xf32, #tpu.memory_space<vmem_shared>>
    tpu.enqueue_indirect_dma source(%arg14 : memref<80x128xf32, #tpu.memory_space<vmem>>) target(%dma_start3A_62 : memref<10240x128xf32, #tpu.memory_space<vmem_shared>>) offsets(%arg12 : memref<80xi32, #tpu.memory_space<vmem>>) semaphore(%arg24 : memref<!tpu.dma_semaphore, #tpu.memory_space<semaphore_mem>>) {add = true}
    %dma_start3A_63 = arith.constant 0 : i32
    %dma_start3A_64 = tpu.memref_slice %arg18[%dma_start3A_63] : memref<10240xf32, #tpu.memory_space<vmem_shared>> -> memref<10240xf32, #tpu.memory_space<vmem_shared>>
    tpu.enqueue_indirect_dma source(%arg15 : memref<80xf32, #tpu.memory_space<vmem>>) target(%dma_start3A_64 : memref<10240xf32, #tpu.memory_space<vmem_shared>>) offsets(%arg12 : memref<80xi32, #tpu.memory_space<vmem>>) semaphore(%arg24 : memref<!tpu.dma_semaphore, #tpu.memory_space<semaphore_mem>>) {add = true}
    %dma_wait3A_65 = arith.constant 0 : i32
    %dma_wait3A_66 = arith.constant 0 : i32
    %dma_wait3A_67 = tpu.memref_slice %arg17[%dma_wait3A_65, %dma_wait3A_66] : memref<10240x128xf32, #tpu.memory_space<vmem_shared>> -> memref<10240x128xf32, #tpu.memory_space<vmem_shared>>
    tpu.wait_indirect_dma semaphore(%arg23 : memref<!tpu.dma_semaphore, #tpu.memory_space<semaphore_mem>>) src(%arg13 : memref<80x128xf32, #tpu.memory_space<vmem>>) dst(%dma_wait3A_67 : memref<10240x128xf32, #tpu.memory_space<vmem_shared>>)
    %dma_wait3A_68 = arith.constant 0 : i32
    %dma_wait3A_69 = tpu.memref_slice %arg18[%dma_wait3A_68] : memref<10240xf32, #tpu.memory_space<vmem_shared>> -> memref<10240xf32, #tpu.memory_space<vmem_shared>>
    tpu.wait_indirect_dma semaphore(%arg23 : memref<!tpu.dma_semaphore, #tpu.memory_space<semaphore_mem>>) src(%arg15 : memref<80xf32, #tpu.memory_space<vmem>>) dst(%dma_wait3A_69 : memref<10240xf32, #tpu.memory_space<vmem_shared>>)
    %scan3A_70 = arith.constant 0 : i32
    %scan3A_71 = arith.constant 124 : i32
    %dma_start3A_72 = arith.constant 0 : i32
    %dma_start3A_73 = tpu.memref_slice %arg10[%scan3A_71, %dma_start3A_72] : memref<125x80xi32, #tpu.memory_space<vmem>> -> memref<1x80xi32, #tpu.memory_space<vmem>>
    %dma_start3A_74 = tpu.memref_squeeze %dma_start3A_73 : memref<1x80xi32, #tpu.memory_space<vmem>> -> memref<80xi32, #tpu.memory_space<vmem>>
    %dma_start3A_75 = arith.constant 0 : i32
    %dma_start3A_76 = arith.constant 0 : i32
    %dma_start3A_77 = tpu.memref_slice %arg2[%dma_start3A_75, %dma_start3A_76] : memref<10240x128xf32, #tpu.memory_space<hbm>> -> memref<10240x128xf32, #tpu.memory_space<hbm>>
    tpu.enqueue_indirect_dma source(%dma_start3A_77 : memref<10240x128xf32, #tpu.memory_space<hbm>>) target(%arg13 : memref<80x128xf32, #tpu.memory_space<vmem>>) offsets(%dma_start3A_74 : memref<80xi32, #tpu.memory_space<vmem>>) semaphore(%arg19 : memref<!tpu.dma_semaphore, #tpu.memory_space<semaphore_mem>>)
    %mul3A_78 = arith.constant 80 : i32
    %mul3A_79 = arith.muli %scan3A_71, %mul3A_78 : i32
    %add3A_80 = arith.addi %mul3A_4, %mul3A_79 : i32
    %dma_start3A_81 = tpu.memref_slice %arg4[%add3A_80] : memref<320000xi32, #tpu.memory_space<hbm>> -> memref<80xi32, #tpu.memory_space<hbm>>
    %dma_start3A_82 = tpu.memref_slice %arg4[%add3A_80] : memref<320000xi32, #tpu.memory_space<hbm>> -> memref<80xi32, #tpu.memory_space<hbm>>
    tpu.enqueue_dma source(%dma_start3A_82 : memref<80xi32, #tpu.memory_space<hbm>>) target(%arg11 : memref<80xi32, #tpu.memory_space<vmem>>) target_semaphore(%arg21 : memref<!tpu.dma_semaphore, #tpu.memory_space<semaphore_mem>>)
    %scan3A_83 = arith.constant 1 : i32
    %dma_wait3A_84 = arith.constant 0 : i32
    %dma_wait3A_85 = arith.constant 0 : i32
    %dma_wait3A_86 = tpu.memref_slice %arg10[%dma_wait3A_84, %dma_wait3A_85] : memref<125x80xi32, #tpu.memory_space<vmem>> -> memref<1x80xi32, #tpu.memory_space<vmem>>
    %dma_wait3A_87 = tpu.memref_squeeze %dma_wait3A_86 : memref<1x80xi32, #tpu.memory_space<vmem>> -> memref<80xi32, #tpu.memory_space<vmem>>
    %dma_wait3A_88 = arith.constant 0 : i32
    %dma_wait3A_89 = arith.constant 0 : i32
    %dma_wait3A_90 = tpu.memref_slice %arg2[%dma_wait3A_88, %dma_wait3A_89] : memref<10240x128xf32, #tpu.memory_space<hbm>> -> memref<10240x128xf32, #tpu.memory_space<hbm>>
    tpu.wait_indirect_dma semaphore(%arg19 : memref<!tpu.dma_semaphore, #tpu.memory_space<semaphore_mem>>) src(%dma_wait3A_90 : memref<10240x128xf32, #tpu.memory_space<hbm>>) dst(%arg13 : memref<80x128xf32, #tpu.memory_space<vmem>>)
    %dma_wait3A_91 = arith.constant 0 : i32
    %dma_wait3A_92 = tpu.memref_slice %arg4[%dma_wait3A_91] : memref<320000xi32, #tpu.memory_space<hbm>> -> memref<80xi32, #tpu.memory_space<hbm>>
    %dma_wait3A_93 = arith.constant 0 : i32
    %dma_wait3A_94 = tpu.memref_slice %arg4[%dma_wait3A_93] : memref<320000xi32, #tpu.memory_space<hbm>> -> memref<80xi32, #tpu.memory_space<hbm>>
    tpu.wait_dma2 semaphore(%arg21 : memref<!tpu.dma_semaphore, #tpu.memory_space<semaphore_mem>>) src(%dma_wait3A_94 : memref<80xi32, #tpu.memory_space<hbm>>) dst(%arg11 : memref<80xi32, #tpu.memory_space<vmem>>)
    %dma_start3A_95 = arith.constant 0 : i32
    %dma_start3A_96 = arith.constant 0 : i32
    %dma_start3A_97 = tpu.memref_slice %arg17[%dma_start3A_95, %dma_start3A_96] : memref<10240x128xf32, #tpu.memory_space<vmem_shared>> -> memref<10240x128xf32, #tpu.memory_space<vmem_shared>>
    tpu.enqueue_indirect_dma source(%arg13 : memref<80x128xf32, #tpu.memory_space<vmem>>) target(%dma_start3A_97 : memref<10240x128xf32, #tpu.memory_space<vmem_shared>>) offsets(%arg11 : memref<80xi32, #tpu.memory_space<vmem>>) semaphore(%arg23 : memref<!tpu.dma_semaphore, #tpu.memory_space<semaphore_mem>>) {add = true}
    %dma_start3A_98 = arith.constant 0 : i32
    %dma_start3A_99 = tpu.memref_slice %arg18[%dma_start3A_98] : memref<10240xf32, #tpu.memory_space<vmem_shared>> -> memref<10240xf32, #tpu.memory_space<vmem_shared>>
    tpu.enqueue_indirect_dma source(%arg15 : memref<80xf32, #tpu.memory_space<vmem>>) target(%dma_start3A_99 : memref<10240xf32, #tpu.memory_space<vmem_shared>>) offsets(%arg11 : memref<80xi32, #tpu.memory_space<vmem>>) semaphore(%arg23 : memref<!tpu.dma_semaphore, #tpu.memory_space<semaphore_mem>>) {add = true}
    %dma_wait3A_100 = arith.constant 0 : i32
    %dma_wait3A_101 = arith.constant 0 : i32
    %dma_wait3A_102 = tpu.memref_slice %arg17[%dma_wait3A_100, %dma_wait3A_101] : memref<10240x128xf32, #tpu.memory_space<vmem_shared>> -> memref<10240x128xf32, #tpu.memory_space<vmem_shared>>
    tpu.wait_indirect_dma semaphore(%arg24 : memref<!tpu.dma_semaphore, #tpu.memory_space<semaphore_mem>>) src(%arg14 : memref<80x128xf32, #tpu.memory_space<vmem>>) dst(%dma_wait3A_102 : memref<10240x128xf32, #tpu.memory_space<vmem_shared>>)
    %dma_wait3A_103 = arith.constant 0 : i32
    %dma_wait3A_104 = tpu.memref_slice %arg18[%dma_wait3A_103] : memref<10240xf32, #tpu.memory_space<vmem_shared>> -> memref<10240xf32, #tpu.memory_space<vmem_shared>>
    tpu.wait_indirect_dma semaphore(%arg24 : memref<!tpu.dma_semaphore, #tpu.memory_space<semaphore_mem>>) src(%arg15 : memref<80xf32, #tpu.memory_space<vmem>>) dst(%dma_wait3A_104 : memref<10240xf32, #tpu.memory_space<vmem_shared>>)
    %dma_wait3A_105 = arith.constant 0 : i32
    %dma_wait3A_106 = arith.constant 0 : i32
    %dma_wait3A_107 = tpu.memref_slice %arg17[%dma_wait3A_105, %dma_wait3A_106] : memref<10240x128xf32, #tpu.memory_space<vmem_shared>> -> memref<10240x128xf32, #tpu.memory_space<vmem_shared>>
    tpu.wait_indirect_dma semaphore(%arg23 : memref<!tpu.dma_semaphore, #tpu.memory_space<semaphore_mem>>) src(%arg13 : memref<80x128xf32, #tpu.memory_space<vmem>>) dst(%dma_wait3A_107 : memref<10240x128xf32, #tpu.memory_space<vmem_shared>>)
    %dma_wait3A_108 = arith.constant 0 : i32
    %dma_wait3A_109 = tpu.memref_slice %arg18[%dma_wait3A_108] : memref<10240xf32, #tpu.memory_space<vmem_shared>> -> memref<10240xf32, #tpu.memory_space<vmem_shared>>
    tpu.wait_indirect_dma semaphore(%arg23 : memref<!tpu.dma_semaphore, #tpu.memory_space<semaphore_mem>>) src(%arg15 : memref<80xf32, #tpu.memory_space<vmem>>) dst(%dma_wait3A_109 : memref<10240xf32, #tpu.memory_space<vmem_shared>>)
    %barrier3A_110 = arith.constant 0 : index
    tpu.barrier barrier_id(%barrier3A_110)
    "tpu.region"() ({
      %run_scoped3A = tpu.sem_alloc : memref<!tpu.dma_semaphore, #tpu.memory_space<semaphore_mem>>
      %dma_start3A_111 = arith.constant 0 : i32
      %dma_start3A_112 = arith.constant 0 : i32
      %dma_start3A_113 = tpu.memref_slice %arg8[%arg0, %dma_start3A_111, %dma_start3A_112] : memref<2x10240x128xf32, #tpu.memory_space<hbm>> -> memref<1x10240x128xf32, #tpu.memory_space<hbm>>
      %dma_start3A_114 = tpu.memref_squeeze %dma_start3A_113 : memref<1x10240x128xf32, #tpu.memory_space<hbm>> -> memref<10240x128xf32, #tpu.memory_space<hbm>>
      %dma_start3A_115 = arith.constant 0 : i32
      %dma_start3A_116 = tpu.memref_slice %dma_start3A_114[%mul3A_2, %dma_start3A_115] : memref<10240x128xf32, #tpu.memory_space<hbm>> -> memref<640x128xf32, #tpu.memory_space<hbm>>
      %dma_start3A_117 = arith.constant 0 : i32
      %dma_start3A_118 = tpu.memref_slice %arg17[%mul3A_2, %dma_start3A_117] : memref<10240x128xf32, #tpu.memory_space<vmem_shared>> -> memref<640x128xf32, #tpu.memory_space<vmem_shared>>
      tpu.enqueue_dma source(%dma_start3A_118 : memref<640x128xf32, #tpu.memory_space<vmem_shared>>) target(%dma_start3A_116 : memref<640x128xf32, #tpu.memory_space<hbm>>) target_semaphore(%run_scoped3A : memref<!tpu.dma_semaphore, #tpu.memory_space<semaphore_mem>>)
      %dma_wait3A_119 = arith.constant 0 : i32
      %dma_wait3A_120 = arith.constant 0 : i32
      %dma_wait3A_121 = tpu.memref_slice %arg8[%arg0, %dma_wait3A_119, %dma_wait3A_120] : memref<2x10240x128xf32, #tpu.memory_space<hbm>> -> memref<1x10240x128xf32, #tpu.memory_space<hbm>>
      %dma_wait3A_122 = tpu.memref_squeeze %dma_wait3A_121 : memref<1x10240x128xf32, #tpu.memory_space<hbm>> -> memref<10240x128xf32, #tpu.memory_space<hbm>>
      %dma_wait3A_123 = arith.constant 0 : i32
      %dma_wait3A_124 = tpu.memref_slice %dma_wait3A_122[%mul3A_2, %dma_wait3A_123] : memref<10240x128xf32, #tpu.memory_space<hbm>> -> memref<640x128xf32, #tpu.memory_space<hbm>>
      %dma_wait3A_125 = arith.constant 0 : i32
      %dma_wait3A_126 = tpu.memref_slice %arg17[%mul3A_2, %dma_wait3A_125] : memref<10240x128xf32, #tpu.memory_space<vmem_shared>> -> memref<640x128xf32, #tpu.memory_space<vmem_shared>>
      tpu.wait_dma2 semaphore(%run_scoped3A : memref<!tpu.dma_semaphore, #tpu.memory_space<semaphore_mem>>) src(%dma_wait3A_126 : memref<640x128xf32, #tpu.memory_space<vmem_shared>>) dst(%dma_wait3A_124 : memref<640x128xf32, #tpu.memory_space<hbm>>)
      tpu.yield
    }) : () -> ()
    "tpu.region"() ({
      %run_scoped3A = tpu.sem_alloc : memref<!tpu.dma_semaphore, #tpu.memory_space<semaphore_mem>>
      %dma_start3A_111 = arith.constant 0 : i32
      %dma_start3A_112 = tpu.memref_slice %arg9[%arg0, %dma_start3A_111] : memref<2x10240xf32, #tpu.memory_space<hbm>> -> memref<1x10240xf32, #tpu.memory_space<hbm>>
      %dma_start3A_113 = tpu.memref_squeeze %dma_start3A_112 : memref<1x10240xf32, #tpu.memory_space<hbm>> -> memref<10240xf32, #tpu.memory_space<hbm>>
      %dma_start3A_114 = tpu.memref_slice %dma_start3A_113[%mul3A_2] : memref<10240xf32, #tpu.memory_space<hbm>> -> memref<640xf32, #tpu.memory_space<hbm>>
      %dma_start3A_115 = tpu.memref_slice %arg18[%mul3A_2] : memref<10240xf32, #tpu.memory_space<vmem_shared>> -> memref<640xf32, #tpu.memory_space<vmem_shared>>
      tpu.enqueue_dma source(%dma_start3A_115 : memref<640xf32, #tpu.memory_space<vmem_shared>>) target(%dma_start3A_114 : memref<640xf32, #tpu.memory_space<hbm>>) target_semaphore(%run_scoped3A : memref<!tpu.dma_semaphore, #tpu.memory_space<semaphore_mem>>)
      %dma_wait3A_116 = arith.constant 0 : i32
      %dma_wait3A_117 = tpu.memref_slice %arg9[%arg0, %dma_wait3A_116] : memref<2x10240xf32, #tpu.memory_space<hbm>> -> memref<1x10240xf32, #tpu.memory_space<hbm>>
      %dma_wait3A_118 = tpu.memref_squeeze %dma_wait3A_117 : memref<1x10240xf32, #tpu.memory_space<hbm>> -> memref<10240xf32, #tpu.memory_space<hbm>>
      %dma_wait3A_119 = tpu.memref_slice %dma_wait3A_118[%mul3A_2] : memref<10240xf32, #tpu.memory_space<hbm>> -> memref<640xf32, #tpu.memory_space<hbm>>
      %dma_wait3A_120 = tpu.memref_slice %arg18[%mul3A_2] : memref<10240xf32, #tpu.memory_space<vmem_shared>> -> memref<640xf32, #tpu.memory_space<vmem_shared>>
      tpu.wait_dma2 semaphore(%run_scoped3A : memref<!tpu.dma_semaphore, #tpu.memory_space<semaphore_mem>>) src(%dma_wait3A_120 : memref<640xf32, #tpu.memory_space<vmem_shared>>) dst(%dma_wait3A_119 : memref<640xf32, #tpu.memory_space<hbm>>)
      tpu.yield
    }) : () -> ()
    return
  }
}

#map = affine_map<(d0, d1) -> (0, 0)>
#map1 = affine_map<(d0, d1) -> (0, 0, 0)>
#map2 = affine_map<(d0, d1) -> (0)>
module attributes {stable_mosaic.version = 14 : i64} {
  func.func @body(%arg0: i32, %arg1: i32, %arg2: memref<10240x64xf32, #tpu.memory_space<hbm>>, %arg3: memref<32x125x80xi32, #tpu.memory_space<hbm>>, %arg4: memref<320000xi32, #tpu.memory_space<hbm>>, %arg5: memref<640x64xf32, #tpu.memory_space<hbm>>, %arg6: memref<640xf32, #tpu.memory_space<hbm>>, %arg7: memref<80xf32, #tpu.memory_space<hbm>>, %arg8: memref<2x10240x64xf32, #tpu.memory_space<hbm>>, %arg9: memref<125x80xi32, #tpu.memory_space<vmem>>, %arg10: memref<80xi32, #tpu.memory_space<vmem>>, %arg11: memref<80xi32, #tpu.memory_space<vmem>>, %arg12: memref<80x64xf32, #tpu.memory_space<vmem>>, %arg13: memref<80x64xf32, #tpu.memory_space<vmem>>, %arg14: memref<80xf32, #tpu.memory_space<vmem>>, %arg15: memref<10240x64xf32, #tpu.memory_space<vmem_shared>>, %arg16: memref<10240x64xf32, #tpu.memory_space<vmem_shared>>, %arg17: memref<10240xf32, #tpu.memory_space<vmem_shared>>, %arg18: memref<!tpu.dma_semaphore, #tpu.memory_space<semaphore_mem>>, %arg19: memref<!tpu.dma_semaphore, #tpu.memory_space<semaphore_mem>>, %arg20: memref<!tpu.dma_semaphore, #tpu.memory_space<semaphore_mem>>, %arg21: memref<!tpu.dma_semaphore, #tpu.memory_space<semaphore_mem>>, %arg22: memref<!tpu.dma_semaphore, #tpu.memory_space<semaphore_mem>>, %arg23: memref<!tpu.dma_semaphore, #tpu.memory_space<semaphore_mem>>) attributes {dimension_semantics = [#tpu.dimension_semantics<core_parallel>, #tpu.dimension_semantics<subcore_parallel>], iteration_bounds = array<i64: 2, 16>, scalar_prefetch = 0 : i64, scratch_operands = 15 : i64, tpu.core_type = #tpu.core_type<sc_vector_subcore>, window_params = [{transform_indices = #map}, {transform_indices = #map1}, {transform_indices = #map2}, {transform_indices = #map}, {transform_indices = #map2}, {transform_indices = #map2}, {transform_indices = #map1}]} {
    %mul3A = arith.constant 2 : i32
    %mul3A_0 = arith.muli %arg1, %mul3A : i32
    %add3A = arith.addi %mul3A_0, %arg0 : i32
    %mul3A_1 = arith.constant 640 : i32
    %mul3A_2 = arith.muli %arg1, %mul3A_1 : i32
    "tpu.region"() ({
      %run_scoped3A = tpu.sem_alloc : memref<!tpu.dma_semaphore, #tpu.memory_space<semaphore_mem>>
      %dma_start3A_99 = arith.constant 0 : i32
      %dma_start3A_100 = arith.constant 0 : i32
      %dma_start3A_101 = tpu.memref_slice %arg3[%add3A, %dma_start3A_99, %dma_start3A_100] : memref<32x125x80xi32, #tpu.memory_space<hbm>> -> memref<1x125x80xi32, #tpu.memory_space<hbm>>
      %dma_start3A_102 = tpu.memref_squeeze %dma_start3A_101 : memref<1x125x80xi32, #tpu.memory_space<hbm>> -> memref<125x80xi32, #tpu.memory_space<hbm>>
      %dma_start3A_103 = arith.constant 0 : i32
      %dma_start3A_104 = arith.constant 0 : i32
      %dma_start3A_105 = tpu.memref_slice %arg3[%add3A, %dma_start3A_103, %dma_start3A_104] : memref<32x125x80xi32, #tpu.memory_space<hbm>> -> memref<1x125x80xi32, #tpu.memory_space<hbm>>
      %dma_start3A_106 = tpu.memref_squeeze %dma_start3A_105 : memref<1x125x80xi32, #tpu.memory_space<hbm>> -> memref<125x80xi32, #tpu.memory_space<hbm>>
      tpu.enqueue_dma source(%dma_start3A_106 : memref<125x80xi32, #tpu.memory_space<hbm>>) target(%arg9 : memref<125x80xi32, #tpu.memory_space<vmem>>) target_semaphore(%run_scoped3A : memref<!tpu.dma_semaphore, #tpu.memory_space<semaphore_mem>>)
      %dma_wait3A_107 = arith.constant 0 : i32
      %dma_wait3A_108 = arith.constant 0 : i32
      %dma_wait3A_109 = tpu.memref_slice %arg3[%add3A, %dma_wait3A_107, %dma_wait3A_108] : memref<32x125x80xi32, #tpu.memory_space<hbm>> -> memref<1x125x80xi32, #tpu.memory_space<hbm>>
      %dma_wait3A_110 = tpu.memref_squeeze %dma_wait3A_109 : memref<1x125x80xi32, #tpu.memory_space<hbm>> -> memref<125x80xi32, #tpu.memory_space<hbm>>
      %dma_wait3A_111 = arith.constant 0 : i32
      %dma_wait3A_112 = arith.constant 0 : i32
      %dma_wait3A_113 = tpu.memref_slice %arg3[%add3A, %dma_wait3A_111, %dma_wait3A_112] : memref<32x125x80xi32, #tpu.memory_space<hbm>> -> memref<1x125x80xi32, #tpu.memory_space<hbm>>
      %dma_wait3A_114 = tpu.memref_squeeze %dma_wait3A_113 : memref<1x125x80xi32, #tpu.memory_space<hbm>> -> memref<125x80xi32, #tpu.memory_space<hbm>>
      tpu.wait_dma2 semaphore(%run_scoped3A : memref<!tpu.dma_semaphore, #tpu.memory_space<semaphore_mem>>) src(%dma_wait3A_114 : memref<125x80xi32, #tpu.memory_space<hbm>>) dst(%arg9 : memref<125x80xi32, #tpu.memory_space<vmem>>)
      tpu.yield
    }) : () -> ()
    "tpu.region"() ({
      %run_scoped3A = tpu.sem_alloc : memref<!tpu.dma_semaphore, #tpu.memory_space<semaphore_mem>>
      %dma_start3A_99 = arith.constant 0 : i32
      %dma_start3A_100 = tpu.memref_slice %arg15[%mul3A_2, %dma_start3A_99] : memref<10240x64xf32, #tpu.memory_space<vmem_shared>> -> memref<640x64xf32, #tpu.memory_space<vmem_shared>>
      %dma_start3A_101 = arith.constant 0 : i32
      %dma_start3A_102 = tpu.memref_slice %arg2[%mul3A_2, %dma_start3A_101] : memref<10240x64xf32, #tpu.memory_space<hbm>> -> memref<640x64xf32, #tpu.memory_space<hbm>>
      tpu.enqueue_dma source(%dma_start3A_102 : memref<640x64xf32, #tpu.memory_space<hbm>>) target(%dma_start3A_100 : memref<640x64xf32, #tpu.memory_space<vmem_shared>>) target_semaphore(%run_scoped3A : memref<!tpu.dma_semaphore, #tpu.memory_space<semaphore_mem>>)
      %dma_wait3A_103 = arith.constant 0 : i32
      %dma_wait3A_104 = tpu.memref_slice %arg15[%mul3A_2, %dma_wait3A_103] : memref<10240x64xf32, #tpu.memory_space<vmem_shared>> -> memref<640x64xf32, #tpu.memory_space<vmem_shared>>
      %dma_wait3A_105 = arith.constant 0 : i32
      %dma_wait3A_106 = tpu.memref_slice %arg2[%mul3A_2, %dma_wait3A_105] : memref<10240x64xf32, #tpu.memory_space<hbm>> -> memref<640x64xf32, #tpu.memory_space<hbm>>
      tpu.wait_dma2 semaphore(%run_scoped3A : memref<!tpu.dma_semaphore, #tpu.memory_space<semaphore_mem>>) src(%dma_wait3A_106 : memref<640x64xf32, #tpu.memory_space<hbm>>) dst(%dma_wait3A_104 : memref<640x64xf32, #tpu.memory_space<vmem_shared>>)
      tpu.yield
    }) : () -> ()
    "tpu.region"() ({
      %run_scoped3A = tpu.sem_alloc : memref<!tpu.dma_semaphore, #tpu.memory_space<semaphore_mem>>
      %dma_start3A_99 = arith.constant 0 : i32
      %dma_start3A_100 = tpu.memref_slice %arg16[%mul3A_2, %dma_start3A_99] : memref<10240x64xf32, #tpu.memory_space<vmem_shared>> -> memref<640x64xf32, #tpu.memory_space<vmem_shared>>
      tpu.enqueue_dma source(%arg5 : memref<640x64xf32, #tpu.memory_space<hbm>>) target(%dma_start3A_100 : memref<640x64xf32, #tpu.memory_space<vmem_shared>>) target_semaphore(%run_scoped3A : memref<!tpu.dma_semaphore, #tpu.memory_space<semaphore_mem>>)
      %dma_wait3A_101 = arith.constant 0 : i32
      %dma_wait3A_102 = tpu.memref_slice %arg16[%mul3A_2, %dma_wait3A_101] : memref<10240x64xf32, #tpu.memory_space<vmem_shared>> -> memref<640x64xf32, #tpu.memory_space<vmem_shared>>
      tpu.wait_dma2 semaphore(%run_scoped3A : memref<!tpu.dma_semaphore, #tpu.memory_space<semaphore_mem>>) src(%arg5 : memref<640x64xf32, #tpu.memory_space<hbm>>) dst(%dma_wait3A_102 : memref<640x64xf32, #tpu.memory_space<vmem_shared>>)
      tpu.yield
    }) : () -> ()
    %barrier3A = arith.constant 0 : index
    tpu.barrier barrier_id(%barrier3A)
    %mul3A_3 = arith.constant 10000 : i32
    %mul3A_4 = arith.muli %add3A, %mul3A_3 : i32
    %dma_start3A = arith.constant 0 : i32
    %dma_start3A_5 = arith.constant 0 : i32
    %dma_start3A_6 = tpu.memref_slice %arg9[%dma_start3A, %dma_start3A_5] : memref<125x80xi32, #tpu.memory_space<vmem>> -> memref<1x80xi32, #tpu.memory_space<vmem>>
    %dma_start3A_7 = tpu.memref_squeeze %dma_start3A_6 : memref<1x80xi32, #tpu.memory_space<vmem>> -> memref<80xi32, #tpu.memory_space<vmem>>
    %dma_start3A_8 = arith.constant 0 : i32
    %dma_start3A_9 = arith.constant 0 : i32
    %dma_start3A_10 = tpu.memref_slice %arg15[%dma_start3A_8, %dma_start3A_9] : memref<10240x64xf32, #tpu.memory_space<vmem_shared>> -> memref<10240x64xf32, #tpu.memory_space<vmem_shared>>
    tpu.enqueue_indirect_dma source(%dma_start3A_10 : memref<10240x64xf32, #tpu.memory_space<vmem_shared>>) target(%arg12 : memref<80x64xf32, #tpu.memory_space<vmem>>) offsets(%dma_start3A_7 : memref<80xi32, #tpu.memory_space<vmem>>) semaphore(%arg18 : memref<!tpu.dma_semaphore, #tpu.memory_space<semaphore_mem>>)
    %add3A_11 = arith.constant 0 : i32
    %add3A_12 = arith.addi %mul3A_4, %add3A_11 : i32
    %dma_start3A_13 = tpu.memref_slice %arg4[%add3A_12] : memref<320000xi32, #tpu.memory_space<hbm>> -> memref<80xi32, #tpu.memory_space<hbm>>
    %dma_start3A_14 = tpu.memref_slice %arg4[%add3A_12] : memref<320000xi32, #tpu.memory_space<hbm>> -> memref<80xi32, #tpu.memory_space<hbm>>
    tpu.enqueue_dma source(%dma_start3A_14 : memref<80xi32, #tpu.memory_space<hbm>>) target(%arg10 : memref<80xi32, #tpu.memory_space<vmem>>) target_semaphore(%arg20 : memref<!tpu.dma_semaphore, #tpu.memory_space<semaphore_mem>>)
    %scan3A = arith.constant 0 : i32
    %scan3A_15 = arith.constant 1 : i32
    %dma_start3A_16 = arith.constant 0 : i32
    %dma_start3A_17 = tpu.memref_slice %arg9[%scan3A_15, %dma_start3A_16] : memref<125x80xi32, #tpu.memory_space<vmem>> -> memref<1x80xi32, #tpu.memory_space<vmem>>
    %dma_start3A_18 = tpu.memref_squeeze %dma_start3A_17 : memref<1x80xi32, #tpu.memory_space<vmem>> -> memref<80xi32, #tpu.memory_space<vmem>>
    %dma_start3A_19 = arith.constant 0 : i32
    %dma_start3A_20 = arith.constant 0 : i32
    %dma_start3A_21 = tpu.memref_slice %arg15[%dma_start3A_19, %dma_start3A_20] : memref<10240x64xf32, #tpu.memory_space<vmem_shared>> -> memref<10240x64xf32, #tpu.memory_space<vmem_shared>>
    tpu.enqueue_indirect_dma source(%dma_start3A_21 : memref<10240x64xf32, #tpu.memory_space<vmem_shared>>) target(%arg13 : memref<80x64xf32, #tpu.memory_space<vmem>>) offsets(%dma_start3A_18 : memref<80xi32, #tpu.memory_space<vmem>>) semaphore(%arg19 : memref<!tpu.dma_semaphore, #tpu.memory_space<semaphore_mem>>)
    %mul3A_22 = arith.constant 80 : i32
    %mul3A_23 = arith.muli %scan3A_15, %mul3A_22 : i32
    %add3A_24 = arith.addi %mul3A_4, %mul3A_23 : i32
    %dma_start3A_25 = tpu.memref_slice %arg4[%add3A_24] : memref<320000xi32, #tpu.memory_space<hbm>> -> memref<80xi32, #tpu.memory_space<hbm>>
    %dma_start3A_26 = tpu.memref_slice %arg4[%add3A_24] : memref<320000xi32, #tpu.memory_space<hbm>> -> memref<80xi32, #tpu.memory_space<hbm>>
    tpu.enqueue_dma source(%dma_start3A_26 : memref<80xi32, #tpu.memory_space<hbm>>) target(%arg11 : memref<80xi32, #tpu.memory_space<vmem>>) target_semaphore(%arg21 : memref<!tpu.dma_semaphore, #tpu.memory_space<semaphore_mem>>)
    %scan3A_27 = arith.constant 1 : i32
    %scan3A_28 = arith.constant 0 : i32
    %scan3A_29 = arith.constant 0 : i32
    %scan3A_30 = arith.constant 61 : i32
    %scan3A_31 = arith.addi %scan3A_29, %scan3A_30 : i32
    %scan3A_32 = arith.constant 1 : i32
    scf.for %scan3A_99 = %scan3A_29 to %scan3A_31 step %scan3A_32  : i32 {
      %mul3A_100 = arith.constant 2 : i32
      %mul3A_101 = arith.muli %mul3A_100, %scan3A_99 : i32
      %dma_wait3A_102 = arith.constant 0 : i32
      %dma_wait3A_103 = arith.constant 0 : i32
      %dma_wait3A_104 = tpu.memref_slice %arg9[%dma_wait3A_102, %dma_wait3A_103] : memref<125x80xi32, #tpu.memory_space<vmem>> -> memref<1x80xi32, #tpu.memory_space<vmem>>
      %dma_wait3A_105 = tpu.memref_squeeze %dma_wait3A_104 : memref<1x80xi32, #tpu.memory_space<vmem>> -> memref<80xi32, #tpu.memory_space<vmem>>
      %dma_wait3A_106 = arith.constant 0 : i32
      %dma_wait3A_107 = arith.constant 0 : i32
      %dma_wait3A_108 = tpu.memref_slice %arg15[%dma_wait3A_106, %dma_wait3A_107] : memref<10240x64xf32, #tpu.memory_space<vmem_shared>> -> memref<10240x64xf32, #tpu.memory_space<vmem_shared>>
      tpu.wait_indirect_dma semaphore(%arg18 : memref<!tpu.dma_semaphore, #tpu.memory_space<semaphore_mem>>) src(%dma_wait3A_108 : memref<10240x64xf32, #tpu.memory_space<vmem_shared>>) dst(%arg12 : memref<80x64xf32, #tpu.memory_space<vmem>>)
      %dma_wait3A_109 = arith.constant 0 : i32
      %dma_wait3A_110 = tpu.memref_slice %arg4[%dma_wait3A_109] : memref<320000xi32, #tpu.memory_space<hbm>> -> memref<80xi32, #tpu.memory_space<hbm>>
      %dma_wait3A_111 = arith.constant 0 : i32
      %dma_wait3A_112 = tpu.memref_slice %arg4[%dma_wait3A_111] : memref<320000xi32, #tpu.memory_space<hbm>> -> memref<80xi32, #tpu.memory_space<hbm>>
      tpu.wait_dma2 semaphore(%arg20 : memref<!tpu.dma_semaphore, #tpu.memory_space<semaphore_mem>>) src(%dma_wait3A_112 : memref<80xi32, #tpu.memory_space<hbm>>) dst(%arg10 : memref<80xi32, #tpu.memory_space<vmem>>)
      %dma_start3A_113 = arith.constant 0 : i32
      %dma_start3A_114 = arith.constant 0 : i32
      %dma_start3A_115 = tpu.memref_slice %arg16[%dma_start3A_113, %dma_start3A_114] : memref<10240x64xf32, #tpu.memory_space<vmem_shared>> -> memref<10240x64xf32, #tpu.memory_space<vmem_shared>>
      tpu.enqueue_indirect_dma source(%arg12 : memref<80x64xf32, #tpu.memory_space<vmem>>) target(%dma_start3A_115 : memref<10240x64xf32, #tpu.memory_space<vmem_shared>>) offsets(%arg10 : memref<80xi32, #tpu.memory_space<vmem>>) semaphore(%arg22 : memref<!tpu.dma_semaphore, #tpu.memory_space<semaphore_mem>>) {add = true}
      %dma_wait3A_116 = arith.constant 0 : i32
      %dma_wait3A_117 = arith.constant 0 : i32
      %dma_wait3A_118 = tpu.memref_slice %arg9[%dma_wait3A_116, %dma_wait3A_117] : memref<125x80xi32, #tpu.memory_space<vmem>> -> memref<1x80xi32, #tpu.memory_space<vmem>>
      %dma_wait3A_119 = tpu.memref_squeeze %dma_wait3A_118 : memref<1x80xi32, #tpu.memory_space<vmem>> -> memref<80xi32, #tpu.memory_space<vmem>>
      %dma_wait3A_120 = arith.constant 0 : i32
      %dma_wait3A_121 = arith.constant 0 : i32
      %dma_wait3A_122 = tpu.memref_slice %arg15[%dma_wait3A_120, %dma_wait3A_121] : memref<10240x64xf32, #tpu.memory_space<vmem_shared>> -> memref<10240x64xf32, #tpu.memory_space<vmem_shared>>
      tpu.wait_indirect_dma semaphore(%arg19 : memref<!tpu.dma_semaphore, #tpu.memory_space<semaphore_mem>>) src(%dma_wait3A_122 : memref<10240x64xf32, #tpu.memory_space<vmem_shared>>) dst(%arg13 : memref<80x64xf32, #tpu.memory_space<vmem>>)
      %dma_wait3A_123 = arith.constant 0 : i32
      %dma_wait3A_124 = tpu.memref_slice %arg4[%dma_wait3A_123] : memref<320000xi32, #tpu.memory_space<hbm>> -> memref<80xi32, #tpu.memory_space<hbm>>
      %dma_wait3A_125 = arith.constant 0 : i32
      %dma_wait3A_126 = tpu.memref_slice %arg4[%dma_wait3A_125] : memref<320000xi32, #tpu.memory_space<hbm>> -> memref<80xi32, #tpu.memory_space<hbm>>
      tpu.wait_dma2 semaphore(%arg21 : memref<!tpu.dma_semaphore, #tpu.memory_space<semaphore_mem>>) src(%dma_wait3A_126 : memref<80xi32, #tpu.memory_space<hbm>>) dst(%arg11 : memref<80xi32, #tpu.memory_space<vmem>>)
      %dma_start3A_127 = arith.constant 0 : i32
      %dma_start3A_128 = arith.constant 0 : i32
      %dma_start3A_129 = tpu.memref_slice %arg16[%dma_start3A_127, %dma_start3A_128] : memref<10240x64xf32, #tpu.memory_space<vmem_shared>> -> memref<10240x64xf32, #tpu.memory_space<vmem_shared>>
      tpu.enqueue_indirect_dma source(%arg13 : memref<80x64xf32, #tpu.memory_space<vmem>>) target(%dma_start3A_129 : memref<10240x64xf32, #tpu.memory_space<vmem_shared>>) offsets(%arg11 : memref<80xi32, #tpu.memory_space<vmem>>) semaphore(%arg23 : memref<!tpu.dma_semaphore, #tpu.memory_space<semaphore_mem>>) {add = true}
      %dma_wait3A_130 = arith.constant 0 : i32
      %dma_wait3A_131 = arith.constant 0 : i32
      %dma_wait3A_132 = tpu.memref_slice %arg16[%dma_wait3A_130, %dma_wait3A_131] : memref<10240x64xf32, #tpu.memory_space<vmem_shared>> -> memref<10240x64xf32, #tpu.memory_space<vmem_shared>>
      tpu.wait_indirect_dma semaphore(%arg22 : memref<!tpu.dma_semaphore, #tpu.memory_space<semaphore_mem>>) src(%arg12 : memref<80x64xf32, #tpu.memory_space<vmem>>) dst(%dma_wait3A_132 : memref<10240x64xf32, #tpu.memory_space<vmem_shared>>)
      %add3A_133 = arith.constant 2 : i32
      %add3A_134 = arith.addi %mul3A_101, %add3A_133 : i32
      %dma_start3A_135 = arith.constant 0 : i32
      %dma_start3A_136 = tpu.memref_slice %arg9[%add3A_134, %dma_start3A_135] : memref<125x80xi32, #tpu.memory_space<vmem>> -> memref<1x80xi32, #tpu.memory_space<vmem>>
      %dma_start3A_137 = tpu.memref_squeeze %dma_start3A_136 : memref<1x80xi32, #tpu.memory_space<vmem>> -> memref<80xi32, #tpu.memory_space<vmem>>
      %dma_start3A_138 = arith.constant 0 : i32
      %dma_start3A_139 = arith.constant 0 : i32
      %dma_start3A_140 = tpu.memref_slice %arg15[%dma_start3A_138, %dma_start3A_139] : memref<10240x64xf32, #tpu.memory_space<vmem_shared>> -> memref<10240x64xf32, #tpu.memory_space<vmem_shared>>
      tpu.enqueue_indirect_dma source(%dma_start3A_140 : memref<10240x64xf32, #tpu.memory_space<vmem_shared>>) target(%arg12 : memref<80x64xf32, #tpu.memory_space<vmem>>) offsets(%dma_start3A_137 : memref<80xi32, #tpu.memory_space<vmem>>) semaphore(%arg18 : memref<!tpu.dma_semaphore, #tpu.memory_space<semaphore_mem>>)
      %mul3A_141 = arith.constant 80 : i32
      %mul3A_142 = arith.muli %add3A_134, %mul3A_141 : i32
      %add3A_143 = arith.addi %mul3A_4, %mul3A_142 : i32
      %dma_start3A_144 = tpu.memref_slice %arg4[%add3A_143] : memref<320000xi32, #tpu.memory_space<hbm>> -> memref<80xi32, #tpu.memory_space<hbm>>
      %dma_start3A_145 = tpu.memref_slice %arg4[%add3A_143] : memref<320000xi32, #tpu.memory_space<hbm>> -> memref<80xi32, #tpu.memory_space<hbm>>
      tpu.enqueue_dma source(%dma_start3A_145 : memref<80xi32, #tpu.memory_space<hbm>>) target(%arg10 : memref<80xi32, #tpu.memory_space<vmem>>) target_semaphore(%arg20 : memref<!tpu.dma_semaphore, #tpu.memory_space<semaphore_mem>>)
      %dma_wait3A_146 = arith.constant 0 : i32
      %dma_wait3A_147 = arith.constant 0 : i32
      %dma_wait3A_148 = tpu.memref_slice %arg16[%dma_wait3A_146, %dma_wait3A_147] : memref<10240x64xf32, #tpu.memory_space<vmem_shared>> -> memref<10240x64xf32, #tpu.memory_space<vmem_shared>>
      tpu.wait_indirect_dma semaphore(%arg23 : memref<!tpu.dma_semaphore, #tpu.memory_space<semaphore_mem>>) src(%arg13 : memref<80x64xf32, #tpu.memory_space<vmem>>) dst(%dma_wait3A_148 : memref<10240x64xf32, #tpu.memory_space<vmem_shared>>)
      %add3A_149 = arith.constant 3 : i32
      %add3A_150 = arith.addi %mul3A_101, %add3A_149 : i32
      %dma_start3A_151 = arith.constant 0 : i32
      %dma_start3A_152 = tpu.memref_slice %arg9[%add3A_150, %dma_start3A_151] : memref<125x80xi32, #tpu.memory_space<vmem>> -> memref<1x80xi32, #tpu.memory_space<vmem>>
      %dma_start3A_153 = tpu.memref_squeeze %dma_start3A_152 : memref<1x80xi32, #tpu.memory_space<vmem>> -> memref<80xi32, #tpu.memory_space<vmem>>
      %dma_start3A_154 = arith.constant 0 : i32
      %dma_start3A_155 = arith.constant 0 : i32
      %dma_start3A_156 = tpu.memref_slice %arg15[%dma_start3A_154, %dma_start3A_155] : memref<10240x64xf32, #tpu.memory_space<vmem_shared>> -> memref<10240x64xf32, #tpu.memory_space<vmem_shared>>
      tpu.enqueue_indirect_dma source(%dma_start3A_156 : memref<10240x64xf32, #tpu.memory_space<vmem_shared>>) target(%arg13 : memref<80x64xf32, #tpu.memory_space<vmem>>) offsets(%dma_start3A_153 : memref<80xi32, #tpu.memory_space<vmem>>) semaphore(%arg19 : memref<!tpu.dma_semaphore, #tpu.memory_space<semaphore_mem>>)
      %mul3A_157 = arith.constant 80 : i32
      %mul3A_158 = arith.muli %add3A_150, %mul3A_157 : i32
      %add3A_159 = arith.addi %mul3A_4, %mul3A_158 : i32
      %dma_start3A_160 = tpu.memref_slice %arg4[%add3A_159] : memref<320000xi32, #tpu.memory_space<hbm>> -> memref<80xi32, #tpu.memory_space<hbm>>
      %dma_start3A_161 = tpu.memref_slice %arg4[%add3A_159] : memref<320000xi32, #tpu.memory_space<hbm>> -> memref<80xi32, #tpu.memory_space<hbm>>
      tpu.enqueue_dma source(%dma_start3A_161 : memref<80xi32, #tpu.memory_space<hbm>>) target(%arg11 : memref<80xi32, #tpu.memory_space<vmem>>) target_semaphore(%arg21 : memref<!tpu.dma_semaphore, #tpu.memory_space<semaphore_mem>>)
    }
    %scan3A_33 = arith.constant 61 : i32
    %dma_wait3A = arith.constant 0 : i32
    %dma_wait3A_34 = arith.constant 0 : i32
    %dma_wait3A_35 = tpu.memref_slice %arg9[%dma_wait3A, %dma_wait3A_34] : memref<125x80xi32, #tpu.memory_space<vmem>> -> memref<1x80xi32, #tpu.memory_space<vmem>>
    %dma_wait3A_36 = tpu.memref_squeeze %dma_wait3A_35 : memref<1x80xi32, #tpu.memory_space<vmem>> -> memref<80xi32, #tpu.memory_space<vmem>>
    %dma_wait3A_37 = arith.constant 0 : i32
    %dma_wait3A_38 = arith.constant 0 : i32
    %dma_wait3A_39 = tpu.memref_slice %arg15[%dma_wait3A_37, %dma_wait3A_38] : memref<10240x64xf32, #tpu.memory_space<vmem_shared>> -> memref<10240x64xf32, #tpu.memory_space<vmem_shared>>
    tpu.wait_indirect_dma semaphore(%arg18 : memref<!tpu.dma_semaphore, #tpu.memory_space<semaphore_mem>>) src(%dma_wait3A_39 : memref<10240x64xf32, #tpu.memory_space<vmem_shared>>) dst(%arg12 : memref<80x64xf32, #tpu.memory_space<vmem>>)
    %dma_wait3A_40 = arith.constant 0 : i32
    %dma_wait3A_41 = tpu.memref_slice %arg4[%dma_wait3A_40] : memref<320000xi32, #tpu.memory_space<hbm>> -> memref<80xi32, #tpu.memory_space<hbm>>
    %dma_wait3A_42 = arith.constant 0 : i32
    %dma_wait3A_43 = tpu.memref_slice %arg4[%dma_wait3A_42] : memref<320000xi32, #tpu.memory_space<hbm>> -> memref<80xi32, #tpu.memory_space<hbm>>
    tpu.wait_dma2 semaphore(%arg20 : memref<!tpu.dma_semaphore, #tpu.memory_space<semaphore_mem>>) src(%dma_wait3A_43 : memref<80xi32, #tpu.memory_space<hbm>>) dst(%arg10 : memref<80xi32, #tpu.memory_space<vmem>>)
    %dma_start3A_44 = arith.constant 0 : i32
    %dma_start3A_45 = arith.constant 0 : i32
    %dma_start3A_46 = tpu.memref_slice %arg16[%dma_start3A_44, %dma_start3A_45] : memref<10240x64xf32, #tpu.memory_space<vmem_shared>> -> memref<10240x64xf32, #tpu.memory_space<vmem_shared>>
    tpu.enqueue_indirect_dma source(%arg12 : memref<80x64xf32, #tpu.memory_space<vmem>>) target(%dma_start3A_46 : memref<10240x64xf32, #tpu.memory_space<vmem_shared>>) offsets(%arg10 : memref<80xi32, #tpu.memory_space<vmem>>) semaphore(%arg22 : memref<!tpu.dma_semaphore, #tpu.memory_space<semaphore_mem>>) {add = true}
    %dma_wait3A_47 = arith.constant 0 : i32
    %dma_wait3A_48 = arith.constant 0 : i32
    %dma_wait3A_49 = tpu.memref_slice %arg9[%dma_wait3A_47, %dma_wait3A_48] : memref<125x80xi32, #tpu.memory_space<vmem>> -> memref<1x80xi32, #tpu.memory_space<vmem>>
    %dma_wait3A_50 = tpu.memref_squeeze %dma_wait3A_49 : memref<1x80xi32, #tpu.memory_space<vmem>> -> memref<80xi32, #tpu.memory_space<vmem>>
    %dma_wait3A_51 = arith.constant 0 : i32
    %dma_wait3A_52 = arith.constant 0 : i32
    %dma_wait3A_53 = tpu.memref_slice %arg15[%dma_wait3A_51, %dma_wait3A_52] : memref<10240x64xf32, #tpu.memory_space<vmem_shared>> -> memref<10240x64xf32, #tpu.memory_space<vmem_shared>>
    tpu.wait_indirect_dma semaphore(%arg19 : memref<!tpu.dma_semaphore, #tpu.memory_space<semaphore_mem>>) src(%dma_wait3A_53 : memref<10240x64xf32, #tpu.memory_space<vmem_shared>>) dst(%arg13 : memref<80x64xf32, #tpu.memory_space<vmem>>)
    %dma_wait3A_54 = arith.constant 0 : i32
    %dma_wait3A_55 = tpu.memref_slice %arg4[%dma_wait3A_54] : memref<320000xi32, #tpu.memory_space<hbm>> -> memref<80xi32, #tpu.memory_space<hbm>>
    %dma_wait3A_56 = arith.constant 0 : i32
    %dma_wait3A_57 = tpu.memref_slice %arg4[%dma_wait3A_56] : memref<320000xi32, #tpu.memory_space<hbm>> -> memref<80xi32, #tpu.memory_space<hbm>>
    tpu.wait_dma2 semaphore(%arg21 : memref<!tpu.dma_semaphore, #tpu.memory_space<semaphore_mem>>) src(%dma_wait3A_57 : memref<80xi32, #tpu.memory_space<hbm>>) dst(%arg11 : memref<80xi32, #tpu.memory_space<vmem>>)
    %dma_start3A_58 = arith.constant 0 : i32
    %dma_start3A_59 = arith.constant 0 : i32
    %dma_start3A_60 = tpu.memref_slice %arg16[%dma_start3A_58, %dma_start3A_59] : memref<10240x64xf32, #tpu.memory_space<vmem_shared>> -> memref<10240x64xf32, #tpu.memory_space<vmem_shared>>
    tpu.enqueue_indirect_dma source(%arg13 : memref<80x64xf32, #tpu.memory_space<vmem>>) target(%dma_start3A_60 : memref<10240x64xf32, #tpu.memory_space<vmem_shared>>) offsets(%arg11 : memref<80xi32, #tpu.memory_space<vmem>>) semaphore(%arg23 : memref<!tpu.dma_semaphore, #tpu.memory_space<semaphore_mem>>) {add = true}
    %dma_wait3A_61 = arith.constant 0 : i32
    %dma_wait3A_62 = arith.constant 0 : i32
    %dma_wait3A_63 = tpu.memref_slice %arg16[%dma_wait3A_61, %dma_wait3A_62] : memref<10240x64xf32, #tpu.memory_space<vmem_shared>> -> memref<10240x64xf32, #tpu.memory_space<vmem_shared>>
    tpu.wait_indirect_dma semaphore(%arg22 : memref<!tpu.dma_semaphore, #tpu.memory_space<semaphore_mem>>) src(%arg12 : memref<80x64xf32, #tpu.memory_space<vmem>>) dst(%dma_wait3A_63 : memref<10240x64xf32, #tpu.memory_space<vmem_shared>>)
    %scan3A_64 = arith.constant 0 : i32
    %scan3A_65 = arith.constant 124 : i32
    %dma_start3A_66 = arith.constant 0 : i32
    %dma_start3A_67 = tpu.memref_slice %arg9[%scan3A_65, %dma_start3A_66] : memref<125x80xi32, #tpu.memory_space<vmem>> -> memref<1x80xi32, #tpu.memory_space<vmem>>
    %dma_start3A_68 = tpu.memref_squeeze %dma_start3A_67 : memref<1x80xi32, #tpu.memory_space<vmem>> -> memref<80xi32, #tpu.memory_space<vmem>>
    %dma_start3A_69 = arith.constant 0 : i32
    %dma_start3A_70 = arith.constant 0 : i32
    %dma_start3A_71 = tpu.memref_slice %arg15[%dma_start3A_69, %dma_start3A_70] : memref<10240x64xf32, #tpu.memory_space<vmem_shared>> -> memref<10240x64xf32, #tpu.memory_space<vmem_shared>>
    tpu.enqueue_indirect_dma source(%dma_start3A_71 : memref<10240x64xf32, #tpu.memory_space<vmem_shared>>) target(%arg12 : memref<80x64xf32, #tpu.memory_space<vmem>>) offsets(%dma_start3A_68 : memref<80xi32, #tpu.memory_space<vmem>>) semaphore(%arg18 : memref<!tpu.dma_semaphore, #tpu.memory_space<semaphore_mem>>)
    %mul3A_72 = arith.constant 80 : i32
    %mul3A_73 = arith.muli %scan3A_65, %mul3A_72 : i32
    %add3A_74 = arith.addi %mul3A_4, %mul3A_73 : i32
    %dma_start3A_75 = tpu.memref_slice %arg4[%add3A_74] : memref<320000xi32, #tpu.memory_space<hbm>> -> memref<80xi32, #tpu.memory_space<hbm>>
    %dma_start3A_76 = tpu.memref_slice %arg4[%add3A_74] : memref<320000xi32, #tpu.memory_space<hbm>> -> memref<80xi32, #tpu.memory_space<hbm>>
    tpu.enqueue_dma source(%dma_start3A_76 : memref<80xi32, #tpu.memory_space<hbm>>) target(%arg10 : memref<80xi32, #tpu.memory_space<vmem>>) target_semaphore(%arg20 : memref<!tpu.dma_semaphore, #tpu.memory_space<semaphore_mem>>)
    %scan3A_77 = arith.constant 1 : i32
    %dma_wait3A_78 = arith.constant 0 : i32
    %dma_wait3A_79 = arith.constant 0 : i32
    %dma_wait3A_80 = tpu.memref_slice %arg9[%dma_wait3A_78, %dma_wait3A_79] : memref<125x80xi32, #tpu.memory_space<vmem>> -> memref<1x80xi32, #tpu.memory_space<vmem>>
    %dma_wait3A_81 = tpu.memref_squeeze %dma_wait3A_80 : memref<1x80xi32, #tpu.memory_space<vmem>> -> memref<80xi32, #tpu.memory_space<vmem>>
    %dma_wait3A_82 = arith.constant 0 : i32
    %dma_wait3A_83 = arith.constant 0 : i32
    %dma_wait3A_84 = tpu.memref_slice %arg15[%dma_wait3A_82, %dma_wait3A_83] : memref<10240x64xf32, #tpu.memory_space<vmem_shared>> -> memref<10240x64xf32, #tpu.memory_space<vmem_shared>>
    tpu.wait_indirect_dma semaphore(%arg18 : memref<!tpu.dma_semaphore, #tpu.memory_space<semaphore_mem>>) src(%dma_wait3A_84 : memref<10240x64xf32, #tpu.memory_space<vmem_shared>>) dst(%arg12 : memref<80x64xf32, #tpu.memory_space<vmem>>)
    %dma_wait3A_85 = arith.constant 0 : i32
    %dma_wait3A_86 = tpu.memref_slice %arg4[%dma_wait3A_85] : memref<320000xi32, #tpu.memory_space<hbm>> -> memref<80xi32, #tpu.memory_space<hbm>>
    %dma_wait3A_87 = arith.constant 0 : i32
    %dma_wait3A_88 = tpu.memref_slice %arg4[%dma_wait3A_87] : memref<320000xi32, #tpu.memory_space<hbm>> -> memref<80xi32, #tpu.memory_space<hbm>>
    tpu.wait_dma2 semaphore(%arg20 : memref<!tpu.dma_semaphore, #tpu.memory_space<semaphore_mem>>) src(%dma_wait3A_88 : memref<80xi32, #tpu.memory_space<hbm>>) dst(%arg10 : memref<80xi32, #tpu.memory_space<vmem>>)
    %dma_start3A_89 = arith.constant 0 : i32
    %dma_start3A_90 = arith.constant 0 : i32
    %dma_start3A_91 = tpu.memref_slice %arg16[%dma_start3A_89, %dma_start3A_90] : memref<10240x64xf32, #tpu.memory_space<vmem_shared>> -> memref<10240x64xf32, #tpu.memory_space<vmem_shared>>
    tpu.enqueue_indirect_dma source(%arg12 : memref<80x64xf32, #tpu.memory_space<vmem>>) target(%dma_start3A_91 : memref<10240x64xf32, #tpu.memory_space<vmem_shared>>) offsets(%arg10 : memref<80xi32, #tpu.memory_space<vmem>>) semaphore(%arg22 : memref<!tpu.dma_semaphore, #tpu.memory_space<semaphore_mem>>) {add = true}
    %dma_wait3A_92 = arith.constant 0 : i32
    %dma_wait3A_93 = arith.constant 0 : i32
    %dma_wait3A_94 = tpu.memref_slice %arg16[%dma_wait3A_92, %dma_wait3A_93] : memref<10240x64xf32, #tpu.memory_space<vmem_shared>> -> memref<10240x64xf32, #tpu.memory_space<vmem_shared>>
    tpu.wait_indirect_dma semaphore(%arg23 : memref<!tpu.dma_semaphore, #tpu.memory_space<semaphore_mem>>) src(%arg13 : memref<80x64xf32, #tpu.memory_space<vmem>>) dst(%dma_wait3A_94 : memref<10240x64xf32, #tpu.memory_space<vmem_shared>>)
    %dma_wait3A_95 = arith.constant 0 : i32
    %dma_wait3A_96 = arith.constant 0 : i32
    %dma_wait3A_97 = tpu.memref_slice %arg16[%dma_wait3A_95, %dma_wait3A_96] : memref<10240x64xf32, #tpu.memory_space<vmem_shared>> -> memref<10240x64xf32, #tpu.memory_space<vmem_shared>>
    tpu.wait_indirect_dma semaphore(%arg22 : memref<!tpu.dma_semaphore, #tpu.memory_space<semaphore_mem>>) src(%arg12 : memref<80x64xf32, #tpu.memory_space<vmem>>) dst(%dma_wait3A_97 : memref<10240x64xf32, #tpu.memory_space<vmem_shared>>)
    %barrier3A_98 = arith.constant 0 : index
    tpu.barrier barrier_id(%barrier3A_98)
    "tpu.region"() ({
      %run_scoped3A = tpu.sem_alloc : memref<!tpu.dma_semaphore, #tpu.memory_space<semaphore_mem>>
      %dma_start3A_99 = arith.constant 0 : i32
      %dma_start3A_100 = arith.constant 0 : i32
      %dma_start3A_101 = tpu.memref_slice %arg8[%arg0, %dma_start3A_99, %dma_start3A_100] : memref<2x10240x64xf32, #tpu.memory_space<hbm>> -> memref<1x10240x64xf32, #tpu.memory_space<hbm>>
      %dma_start3A_102 = tpu.memref_squeeze %dma_start3A_101 : memref<1x10240x64xf32, #tpu.memory_space<hbm>> -> memref<10240x64xf32, #tpu.memory_space<hbm>>
      %dma_start3A_103 = arith.constant 0 : i32
      %dma_start3A_104 = tpu.memref_slice %dma_start3A_102[%mul3A_2, %dma_start3A_103] : memref<10240x64xf32, #tpu.memory_space<hbm>> -> memref<640x64xf32, #tpu.memory_space<hbm>>
      %dma_start3A_105 = arith.constant 0 : i32
      %dma_start3A_106 = tpu.memref_slice %arg16[%mul3A_2, %dma_start3A_105] : memref<10240x64xf32, #tpu.memory_space<vmem_shared>> -> memref<640x64xf32, #tpu.memory_space<vmem_shared>>
      tpu.enqueue_dma source(%dma_start3A_106 : memref<640x64xf32, #tpu.memory_space<vmem_shared>>) target(%dma_start3A_104 : memref<640x64xf32, #tpu.memory_space<hbm>>) target_semaphore(%run_scoped3A : memref<!tpu.dma_semaphore, #tpu.memory_space<semaphore_mem>>)
      %dma_wait3A_107 = arith.constant 0 : i32
      %dma_wait3A_108 = arith.constant 0 : i32
      %dma_wait3A_109 = tpu.memref_slice %arg8[%arg0, %dma_wait3A_107, %dma_wait3A_108] : memref<2x10240x64xf32, #tpu.memory_space<hbm>> -> memref<1x10240x64xf32, #tpu.memory_space<hbm>>
      %dma_wait3A_110 = tpu.memref_squeeze %dma_wait3A_109 : memref<1x10240x64xf32, #tpu.memory_space<hbm>> -> memref<10240x64xf32, #tpu.memory_space<hbm>>
      %dma_wait3A_111 = arith.constant 0 : i32
      %dma_wait3A_112 = tpu.memref_slice %dma_wait3A_110[%mul3A_2, %dma_wait3A_111] : memref<10240x64xf32, #tpu.memory_space<hbm>> -> memref<640x64xf32, #tpu.memory_space<hbm>>
      %dma_wait3A_113 = arith.constant 0 : i32
      %dma_wait3A_114 = tpu.memref_slice %arg16[%mul3A_2, %dma_wait3A_113] : memref<10240x64xf32, #tpu.memory_space<vmem_shared>> -> memref<640x64xf32, #tpu.memory_space<vmem_shared>>
      tpu.wait_dma2 semaphore(%run_scoped3A : memref<!tpu.dma_semaphore, #tpu.memory_space<semaphore_mem>>) src(%dma_wait3A_114 : memref<640x64xf32, #tpu.memory_space<vmem_shared>>) dst(%dma_wait3A_112 : memref<640x64xf32, #tpu.memory_space<hbm>>)
      tpu.yield
    }) : () -> ()
    return
  }
}

module attributes {stable_mosaic.version = 14 : i64} {
  func.func @_mm_split_body(%arg0: i32, %arg1: memref<1024x128xf32, #tpu.memory_space<vmem>>, %arg2: memref<128x256xf32, #tpu.memory_space<vmem>>, %arg3: memref<1024x128xf32, #tpu.memory_space<vmem>>, %arg4: memref<1024x128xf32, #tpu.memory_space<vmem>>) attributes {dimension_semantics = [#tpu.dimension_semantics<arbitrary>], iteration_bounds = array<i64: 10>, scalar_prefetch = 0 : i64, scratch_operands = 0 : i64, tpu.core_type = #tpu.core_type<tc>, window_params = [{transform_indices = @transform_0, window_bounds = array<i64: 1024, 128>}, {pipeline_mode = #tpu.pipeline_mode<synchronous>, transform_indices = @transform_1, window_bounds = array<i64: 128, 256>}, {transform_indices = @transform_2, window_bounds = array<i64: 1024, 128>}, {transform_indices = @transform_3, window_bounds = array<i64: 1024, 128>}]} {
    %get3A = arith.constant 0 : index
    %get3A_0 = arith.constant 0 : index
    %get3A_1 = vector.load %arg1[%get3A, %get3A_0] : memref<1024x128xf32, #tpu.memory_space<vmem>>, vector<1024x128xf32>
    %get3A_2 = arith.constant 0 : index
    %get3A_3 = arith.constant 0 : index
    %get3A_4 = vector.load %arg2[%get3A_2, %get3A_3] : memref<128x256xf32, #tpu.memory_space<vmem>>, vector<128x256xf32>
    %dot_general3A = arith.constant dense<0.000000e+00> : vector<1024x256xf32>
    %dot_general3A_5 = tpu.matmul %get3A_1, %get3A_4, %dot_general3A {dimension_numbers = #tpu.dot_dimension_numbers<[1], [0], [0], [1], [0, 0, 1, 1], [], []>, precision = #tpu.contract_precision<fp32>, transpose_lhs_hint = false} : vector<1024x128xf32>, vector<128x256xf32>, vector<1024x256xf32> -> vector<1024x256xf32>
    %slice3A = vector.extract_strided_slice %dot_general3A_5 {offsets = [0, 0], sizes = [1024, 128], strides = [1, 1]} : vector<1024x256xf32> to vector<1024x128xf32>
    %swap3A = arith.constant 0 : index
    %swap3A_6 = arith.constant 0 : index
    %swap3A_7 = vector.load %arg3[%swap3A, %swap3A_6] : memref<1024x128xf32, #tpu.memory_space<vmem>>, vector<1024x128xf32>
    tpu.vector_store %arg3[%swap3A, %swap3A_6], %slice3A {strides = array<i32>} : memref<1024x128xf32, #tpu.memory_space<vmem>>, vector<1024x128xf32>,
    %slice3A_8 = vector.extract_strided_slice %dot_general3A_5 {offsets = [0, 128], sizes = [1024, 128], strides = [1, 1]} : vector<1024x256xf32> to vector<1024x128xf32>
    %swap3A_9 = arith.constant 0 : index
    %swap3A_10 = arith.constant 0 : index
    %swap3A_11 = vector.load %arg4[%swap3A_9, %swap3A_10] : memref<1024x128xf32, #tpu.memory_space<vmem>>, vector<1024x128xf32>
    tpu.vector_store %arg4[%swap3A_9, %swap3A_10], %slice3A_8 {strides = array<i32>} : memref<1024x128xf32, #tpu.memory_space<vmem>>, vector<1024x128xf32>,
    return
  }
  func.func @transform_0(%arg0: i32) -> (i32, i32) {
    %c0_i32 = arith.constant 0 : i32
    %c0_i32_0 = arith.constant 0 : i32
    return %arg0, %c0_i32 : i32, i32
  }
  func.func @transform_1(%arg0: i32) -> (i32, i32) {
    %c0_i32 = arith.constant 0 : i32
    %c0_i32_0 = arith.constant 0 : i32
    %c0_i32_1 = arith.constant 0 : i32
    return %c0_i32, %c0_i32_0 : i32, i32
  }
  func.func @transform_2(%arg0: i32) -> (i32, i32) {
    %c0_i32 = arith.constant 0 : i32
    %c0_i32_0 = arith.constant 0 : i32
    return %arg0, %c0_i32 : i32, i32
  }
  func.func @transform_3(%arg0: i32) -> (i32, i32) {
    %c0_i32 = arith.constant 0 : i32
    %c0_i32_0 = arith.constant 0 : i32
    return %arg0, %c0_i32 : i32, i32
  }
}

module attributes {stable_mosaic.version = 14 : i64} {
  func.func @_layer_mid_body(%arg0: i32, %arg1: memref<2x1024x128xf32, #tpu.memory_space<vmem>>, %arg2: memref<2x1024xf32, #tpu.memory_space<vmem>>, %arg3: memref<1x128xf32, #tpu.memory_space<vmem>>, %arg4: memref<1024x128xf32, #tpu.memory_space<vmem>>, %arg5: memref<128x128xf32, #tpu.memory_space<vmem>>, %arg6: memref<1024x64xf32, #tpu.memory_space<vmem>>, %arg7: memref<1024x64xf32, #tpu.memory_space<vmem>>) attributes {dimension_semantics = [#tpu.dimension_semantics<arbitrary>], iteration_bounds = array<i64: 10>, scalar_prefetch = 0 : i64, scratch_operands = 0 : i64, tpu.core_type = #tpu.core_type<tc>, window_params = [{transform_indices = @transform_0, window_bounds = array<i64: 2, 1024, 128>}, {transform_indices = @transform_1, window_bounds = array<i64: 2, 1024>}, {pipeline_mode = #tpu.pipeline_mode<synchronous>, transform_indices = @transform_2, window_bounds = array<i64: 1, 128>}, {transform_indices = @transform_3, window_bounds = array<i64: 1024, 128>}, {pipeline_mode = #tpu.pipeline_mode<synchronous>, transform_indices = @transform_4, window_bounds = array<i64: 128, 128>}, {transform_indices = @transform_5, window_bounds = array<i64: 1024, 64>}, {transform_indices = @transform_6, window_bounds = array<i64: 1024, 64>}]} {
    %get3A = arith.constant 0 : index
    %get3A_0 = arith.constant 0 : index
    %get3A_1 = arith.constant 0 : index
    %get3A_2 = vector.load %arg1[%get3A, %get3A_0, %get3A_1] : memref<2x1024x128xf32, #tpu.memory_space<vmem>>, vector<1x1024x128xf32>
    %get3A_3 = vector.shape_cast %get3A_2 : vector<1x1024x128xf32> to vector<1024x128xf32>
    %get3A_4 = arith.constant 1 : index
    %get3A_5 = arith.constant 0 : index
    %get3A_6 = arith.constant 0 : index
    %get3A_7 = vector.load %arg1[%get3A_4, %get3A_5, %get3A_6] : memref<2x1024x128xf32, #tpu.memory_space<vmem>>, vector<1x1024x128xf32>
    %get3A_8 = vector.shape_cast %get3A_7 : vector<1x1024x128xf32> to vector<1024x128xf32>
    %add3A = arith.addf %get3A_3, %get3A_8 : vector<1024x128xf32>
    %get3A_9 = arith.constant 0 : index
    %get3A_10 = arith.constant 0 : index
    %get3A_11 = vector.load %arg2[%get3A_9, %get3A_10] : memref<2x1024xf32, #tpu.memory_space<vmem>>, vector<1x1024xf32>
    %get3A_12 = vector.shape_cast %get3A_11 : vector<1x1024xf32> to vector<1024xf32>
    %get3A_13 = arith.constant 1 : index
    %get3A_14 = arith.constant 0 : index
    %get3A_15 = vector.load %arg2[%get3A_13, %get3A_14] : memref<2x1024xf32, #tpu.memory_space<vmem>>, vector<1x1024xf32>
    %get3A_16 = vector.shape_cast %get3A_15 : vector<1x1024xf32> to vector<1024xf32>
    %add3A_17 = arith.addf %get3A_12, %get3A_16 : vector<1024xf32>
    %max3A = arith.constant 1.000000e+00 : f32
    %max3A_18 = vector.broadcast %max3A : f32 to vector<1024xf32>
    %max3A_19 = arith.maximumf %add3A_17, %max3A_18 : vector<1024xf32>
    %div3A = arith.constant 1.000000e+00 : f32
    %div3A_20 = vector.broadcast %div3A : f32 to vector<1024xf32>
    %div3A_21 = arith.divf %div3A_20, %max3A_19 : vector<1024xf32>
    %broadcast_in_dim3A = vector.shape_cast %div3A_21 : vector<1024xf32> to vector<1024x1xf32>
    %mul3A = vector.broadcast %broadcast_in_dim3A : vector<1024x1xf32> to vector<1024x128xf32>
    %mul3A_22 = arith.mulf %add3A, %mul3A : vector<1024x128xf32>
    %get3A_23 = arith.constant 0 : index
    %get3A_24 = arith.constant 0 : index
    %get3A_25 = vector.load %arg3[%get3A_23, %get3A_24] : memref<1x128xf32, #tpu.memory_space<vmem>>, vector<1x128xf32>
    %add3A_26 = vector.broadcast %get3A_25 : vector<1x128xf32> to vector<1024x128xf32>
    %add3A_27 = arith.addf %mul3A_22, %add3A_26 : vector<1024x128xf32>
    %get3A_28 = arith.constant 0 : index
    %get3A_29 = arith.constant 0 : index
    %get3A_30 = vector.load %arg4[%get3A_28, %get3A_29] : memref<1024x128xf32, #tpu.memory_space<vmem>>, vector<1024x128xf32>
    %add3A_31 = arith.addf %add3A_27, %get3A_30 : vector<1024x128xf32>
    %max3A_32 = arith.constant 0.000000e+00 : f32
    %max3A_33 = vector.broadcast %max3A_32 : f32 to vector<1024x128xf32>
    %max3A_34 = arith.maximumf %add3A_31, %max3A_33 : vector<1024x128xf32>
    %get3A_35 = arith.constant 0 : index
    %get3A_36 = arith.constant 0 : index
    %get3A_37 = vector.load %arg5[%get3A_35, %get3A_36] : memref<128x128xf32, #tpu.memory_space<vmem>>, vector<128x128xf32>
    %dot_general3A = arith.constant dense<0.000000e+00> : vector<1024x128xf32>
    %dot_general3A_38 = tpu.matmul %max3A_34, %get3A_37, %dot_general3A {dimension_numbers = #tpu.dot_dimension_numbers<[1], [0], [0], [1], [0, 0, 1, 1], [], []>, precision = #tpu.contract_precision<fp32>, transpose_lhs_hint = false} : vector<1024x128xf32>, vector<128x128xf32>, vector<1024x128xf32> -> vector<1024x128xf32>
    %slice3A = vector.extract_strided_slice %dot_general3A_38 {offsets = [0, 0], sizes = [1024, 64], strides = [1, 1]} : vector<1024x128xf32> to vector<1024x64xf32>
    %swap3A = arith.constant 0 : index
    %swap3A_39 = arith.constant 0 : index
    %swap3A_40 = vector.load %arg6[%swap3A, %swap3A_39] : memref<1024x64xf32, #tpu.memory_space<vmem>>, vector<1024x64xf32>
    tpu.vector_store %arg6[%swap3A, %swap3A_39], %slice3A {strides = array<i32>} : memref<1024x64xf32, #tpu.memory_space<vmem>>, vector<1024x64xf32>,
    %slice3A_41 = vector.extract_strided_slice %dot_general3A_38 {offsets = [0, 64], sizes = [1024, 64], strides = [1, 1]} : vector<1024x128xf32> to vector<1024x64xf32>
    %swap3A_42 = arith.constant 0 : index
    %swap3A_43 = arith.constant 0 : index
    %swap3A_44 = vector.load %arg7[%swap3A_42, %swap3A_43] : memref<1024x64xf32, #tpu.memory_space<vmem>>, vector<1024x64xf32>
    tpu.vector_store %arg7[%swap3A_42, %swap3A_43], %slice3A_41 {strides = array<i32>} : memref<1024x64xf32, #tpu.memory_space<vmem>>, vector<1024x64xf32>,
    return
  }
  func.func @transform_0(%arg0: i32) -> (i32, i32, i32) {
    %c0_i32 = arith.constant 0 : i32
    %c0_i32_0 = arith.constant 0 : i32
    %c0_i32_1 = arith.constant 0 : i32
    return %c0_i32, %arg0, %c0_i32_0 : i32, i32, i32
  }
  func.func @transform_1(%arg0: i32) -> (i32, i32) {
    %c0_i32 = arith.constant 0 : i32
    %c0_i32_0 = arith.constant 0 : i32
    return %c0_i32, %arg0 : i32, i32
  }
  func.func @transform_2(%arg0: i32) -> (i32, i32) {
    %c0_i32 = arith.constant 0 : i32
    %c0_i32_0 = arith.constant 0 : i32
    %c0_i32_1 = arith.constant 0 : i32
    return %c0_i32, %c0_i32_0 : i32, i32
  }
  func.func @transform_3(%arg0: i32) -> (i32, i32) {
    %c0_i32 = arith.constant 0 : i32
    %c0_i32_0 = arith.constant 0 : i32
    return %arg0, %c0_i32 : i32, i32
  }
  func.func @transform_4(%arg0: i32) -> (i32, i32) {
    %c0_i32 = arith.constant 0 : i32
    %c0_i32_0 = arith.constant 0 : i32
    %c0_i32_1 = arith.constant 0 : i32
    return %c0_i32, %c0_i32_0 : i32, i32
  }
  func.func @transform_5(%arg0: i32) -> (i32, i32) {
    %c0_i32 = arith.constant 0 : i32
    %c0_i32_0 = arith.constant 0 : i32
    return %arg0, %c0_i32 : i32, i32
  }
  func.func @transform_6(%arg0: i32) -> (i32, i32) {
    %c0_i32 = arith.constant 0 : i32
    %c0_i32_0 = arith.constant 0 : i32
    return %arg0, %c0_i32 : i32, i32
  }
}

module attributes {stable_mosaic.version = 14 : i64} {
  func.func @_final_body(%arg0: i32, %arg1: memref<2x1024x64xf32, #tpu.memory_space<vmem>>, %arg2: memref<2x1024xf32, #tpu.memory_space<vmem>>, %arg3: memref<1x64xf32, #tpu.memory_space<vmem>>, %arg4: memref<1024x64xf32, #tpu.memory_space<vmem>>, %arg5: memref<1024x64xf32, #tpu.memory_space<vmem>>) attributes {dimension_semantics = [#tpu.dimension_semantics<arbitrary>], iteration_bounds = array<i64: 10>, scalar_prefetch = 0 : i64, scratch_operands = 0 : i64, tpu.core_type = #tpu.core_type<tc>, window_params = [{transform_indices = @transform_0, window_bounds = array<i64: 2, 1024, 64>}, {transform_indices = @transform_1, window_bounds = array<i64: 2, 1024>}, {pipeline_mode = #tpu.pipeline_mode<synchronous>, transform_indices = @transform_2, window_bounds = array<i64: 1, 64>}, {transform_indices = @transform_3, window_bounds = array<i64: 1024, 64>}, {transform_indices = @transform_4, window_bounds = array<i64: 1024, 64>}]} {
    %get3A = arith.constant 0 : index
    %get3A_0 = arith.constant 0 : index
    %get3A_1 = arith.constant 0 : index
    %get3A_2 = vector.load %arg1[%get3A, %get3A_0, %get3A_1] : memref<2x1024x64xf32, #tpu.memory_space<vmem>>, vector<1x1024x64xf32>
    %get3A_3 = vector.shape_cast %get3A_2 : vector<1x1024x64xf32> to vector<1024x64xf32>
    %get3A_4 = arith.constant 1 : index
    %get3A_5 = arith.constant 0 : index
    %get3A_6 = arith.constant 0 : index
    %get3A_7 = vector.load %arg1[%get3A_4, %get3A_5, %get3A_6] : memref<2x1024x64xf32, #tpu.memory_space<vmem>>, vector<1x1024x64xf32>
    %get3A_8 = vector.shape_cast %get3A_7 : vector<1x1024x64xf32> to vector<1024x64xf32>
    %add3A = arith.addf %get3A_3, %get3A_8 : vector<1024x64xf32>
    %get3A_9 = arith.constant 0 : index
    %get3A_10 = arith.constant 0 : index
    %get3A_11 = vector.load %arg2[%get3A_9, %get3A_10] : memref<2x1024xf32, #tpu.memory_space<vmem>>, vector<1x1024xf32>
    %get3A_12 = vector.shape_cast %get3A_11 : vector<1x1024xf32> to vector<1024xf32>
    %get3A_13 = arith.constant 1 : index
    %get3A_14 = arith.constant 0 : index
    %get3A_15 = vector.load %arg2[%get3A_13, %get3A_14] : memref<2x1024xf32, #tpu.memory_space<vmem>>, vector<1x1024xf32>
    %get3A_16 = vector.shape_cast %get3A_15 : vector<1x1024xf32> to vector<1024xf32>
    %add3A_17 = arith.addf %get3A_12, %get3A_16 : vector<1024xf32>
    %max3A = arith.constant 1.000000e+00 : f32
    %max3A_18 = vector.broadcast %max3A : f32 to vector<1024xf32>
    %max3A_19 = arith.maximumf %add3A_17, %max3A_18 : vector<1024xf32>
    %div3A = arith.constant 1.000000e+00 : f32
    %div3A_20 = vector.broadcast %div3A : f32 to vector<1024xf32>
    %div3A_21 = arith.divf %div3A_20, %max3A_19 : vector<1024xf32>
    %broadcast_in_dim3A = vector.shape_cast %div3A_21 : vector<1024xf32> to vector<1024x1xf32>
    %mul3A = vector.broadcast %broadcast_in_dim3A : vector<1024x1xf32> to vector<1024x64xf32>
    %mul3A_22 = arith.mulf %add3A, %mul3A : vector<1024x64xf32>
    %get3A_23 = arith.constant 0 : index
    %get3A_24 = arith.constant 0 : index
    %get3A_25 = vector.load %arg3[%get3A_23, %get3A_24] : memref<1x64xf32, #tpu.memory_space<vmem>>, vector<1x64xf32>
    %add3A_26 = vector.broadcast %get3A_25 : vector<1x64xf32> to vector<1024x64xf32>
    %add3A_27 = arith.addf %mul3A_22, %add3A_26 : vector<1024x64xf32>
    %get3A_28 = arith.constant 0 : index
    %get3A_29 = arith.constant 0 : index
    %get3A_30 = vector.load %arg4[%get3A_28, %get3A_29] : memref<1024x64xf32, #tpu.memory_space<vmem>>, vector<1024x64xf32>
    %add3A_31 = arith.addf %add3A_27, %get3A_30 : vector<1024x64xf32>
    %swap3A = arith.constant 0 : index
    %swap3A_32 = arith.constant 0 : index
    %swap3A_33 = vector.load %arg5[%swap3A, %swap3A_32] : memref<1024x64xf32, #tpu.memory_space<vmem>>, vector<1024x64xf32>
    tpu.vector_store %arg5[%swap3A, %swap3A_32], %add3A_31 {strides = array<i32>} : memref<1024x64xf32, #tpu.memory_space<vmem>>, vector<1024x64xf32>,
    return
  }
  func.func @transform_0(%arg0: i32) -> (i32, i32, i32) {
    %c0_i32 = arith.constant 0 : i32
    %c0_i32_0 = arith.constant 0 : i32
    %c0_i32_1 = arith.constant 0 : i32
    return %c0_i32, %arg0, %c0_i32_0 : i32, i32, i32
  }
  func.func @transform_1(%arg0: i32) -> (i32, i32) {
    %c0_i32 = arith.constant 0 : i32
    %c0_i32_0 = arith.constant 0 : i32
    return %c0_i32, %arg0 : i32, i32
  }
  func.func @transform_2(%arg0: i32) -> (i32, i32) {
    %c0_i32 = arith.constant 0 : i32
    %c0_i32_0 = arith.constant 0 : i32
    %c0_i32_1 = arith.constant 0 : i32
    return %c0_i32, %c0_i32_0 : i32, i32
  }
  func.func @transform_3(%arg0: i32) -> (i32, i32) {
    %c0_i32 = arith.constant 0 : i32
    %c0_i32_0 = arith.constant 0 : i32
    return %arg0, %c0_i32 : i32, i32
  }
  func.func @transform_4(%arg0: i32) -> (i32, i32) {
    %c0_i32 = arith.constant 0 : i32
    %c0_i32_0 = arith.constant 0 : i32
    return %arg0, %c0_i32 : i32, i32
  }
}

</mosaic_0001>

<sc_bundles>
// kernel: kernel.10.cloned.1.call-start
scs
__scs_entry_jumppad:
0x0: {  	(pc) =	sbr.rel $0x88, $3  }
0x1: {  	(tag) =	ssettag $0x0;
	lr =	simm.s32 $0x1  }
0x2: {  	[smem:$0x3F99] =	sst lr;
	_ =	strace $0xD0000000  }
0x3: {  	_ = 	snop  }
0x4: {  	_ = 	snop  }
0x5: {  	_ = 	snop  }
0x6: {  	_ = 	snop  }
0x7: {  	_ = 	snop  }
__scs_overlays_trampoline_lowered:
0x8: {  	[smem:$0x3FA8] =	sst s0  }
0x9: {  	[smem:$0x3FA9] =	sst s1  }
0xa: {  	[smem:$0x3FAA] =	sst s2  }
0xb: {  	[smem:$0x3FAB] =	sst s3  }
0xc: {  	[smem:$0x3FAC] =	sst s4  }
0xd: {  	[smem:$0x3FAD] =	sst s5  }
0xe: {  	[smem:$0x3FAE] =	sst s6  }
0xf: {  	[smem:$0x3FAF] =	sst s7  }
0x10: {  	[smem:$0x3FB0] =	sst s8  }
0x11: {  	[smem:$0x3FB1] =	sst s9;
	s0 =	simm.s32 @!p0 $0x0  }
0x12: {  	s1 =	sld [smem:$0x3F97];
	s0 =	simm.s32 @p0 $0x1  }
0x13: {  	[smem:$0x3FB2] =	sst s0;
	s0 =	simm.s32 @!p1 $0x0  }
0x14: {  	s2 =	sld [smem:$0x3F96];
	s0 =	simm.s32 @p1 $0x1  }
0x15: {  	[smem:$0x3FB3] =	sst s0;
	s0 =	simm.s32 @!p2 $0x0  }
0x16: {  	s3 =	sld [smem:$0x3FDB];
	s0 =	simm.s32 @p2 $0x1  }
0x17: {  	s4 =	simm.s32 $0x1BF5;
	[smem:$0x3FB5] =	sst s0  }
0x18: {  	s0 =	sld [smem:$0x3F98];
	_ =	swait.ge [sflag:s4], $0x0  }
0x19: {  	s7 =	sld [smem:$0x3F99]  }
0x1a: {  	s8 =	sadd.s32 $0xFFFFE003, lr  }
0x1b: {  	s9 =	sadd.s32 $0xFFFFFEF7, lr;
	s5 =	simm.s32 $0xFFFFFFFF;
	p2 =	slt.u32 s8, $0xFFFFF086  }
0x1c: {  	p1 =	slt.u32 s9, $0xF7A;
	s5 =	simm.s32 @!p2 $0x0  }
0x1d: {  	s5 =	simm.s32 @p1 $0x1;
	p0 =	seq.s32 s7, s2  }
0x1e: {  	s7 =	smul.u32 @!p0 $0xF7A, s2;
	p2 =	seq.s32 @!p0 s5, $0x0  }
0x1f: {  	s9 =	smul.u32 $0xF7A, s1;
	s8 =	simm.s32 @!p0 $0x1BF5;
	p2 =	por !p2, p0  }
0x20: {  	[sflag:s8] =	ssyncset.s32 @!p0 $0xFFFFF086;
	s6 =	sadd.s32 @!p0 s3, s7;
	s7 =	simm.s32 @!p0 $0x108  }
0x21: {  	s3 =	sadd.s32 s3, s9;
	s6 =	sadd.s32 @!p0 $0x88, s6;
	s7 =	simm.s32 @p2 $0x1082  }
0x22: {  	[simem:s7], [sflag:s8] =	dma.local @!p0 [hbm:s6], $0xF7A  }
0x23: {  	s9 =	sor.u32 $0xD0000000, s2;
	s6 =	simm.s32 $0x108;
	_ =	swait.ge @!p0 [sflag:s8], $0x0  }
0x24: {  	s3 =	sadd.s32 $0x88, s3;
	s6 =	simm.s32 @!p1 $0x1082;
	[sflag:s4] =	ssyncset.s32 $0xFFFFF086  }
0x25: {  	[simem:s6], [sflag:s4] =	dma.local [hbm:s3], $0xF7A  }
0x26: {  	[smem:$0x3F99] =	sst s1;
	(tag) =	ssettag s2;
	_ =	strace s9  }
0x27: {  	s1 =	sld [smem:$0x3FA9]  }
0x28: {  	s2 =	sld [smem:$0x3FAA]  }
0x29: {  	s4 =	sld [smem:$0x3FAC]  }
0x2a: {  	p0 =	seq.s32 s5, $0x0;
	s5 =	sld [smem:$0x3FAD]  }
0x2b: {  	s6 =	sld [smem:$0x3FAE]  }
0x2c: {  	s7 =	sld [smem:$0x3FAF]  }
0x2d: {  	s3 =	simm.s32 $0x108;
	s8 =	sld [smem:$0x3FB0]  }
0x2e: {  	s3 =	simm.s32 @!p0 $0x1082;
	s9 =	sld [smem:$0x3FB1]  }
0x2f: {  	lr =	sadd.s32 s0, s3;
	s0 =	sld [smem:$0x3FA8]  }
0x30: {  	s3 =	sld [smem:$0x3FAB]  }
0x31: {  	[smem:$0x3FB4] =	sst s10  }
0x32: {  	s10 =	sld [smem:$0x3FB2];
	_ =	sdelay $0x3  }
0x33: {  	p0 =	seq.s32 s10, $0x1;
	s10 =	sld [smem:$0x3FB4];
	_ =	sdelay $0x3  }
0x34: {  	[smem:$0x3FB4] =	sst s10  }
0x35: {  	s10 =	sld [smem:$0x3FB3];
	_ =	sdelay $0x3  }
0x36: {  	p1 =	seq.s32 s10, $0x1;
	s10 =	sld [smem:$0x3FB4];
	_ =	sdelay $0x3  }
0x37: {  	[smem:$0x3FB4] =	sst s10  }
0x38: {  	s10 =	sld [smem:$0x3FB5]  }
0x39: {  	_ = 	snop;
	(pc) =	sbr.ind lr, $3  }
0x3a: {  	_ = 	snop  }
0x3b: {  	_ = 	snop  }
0x3c: {  	p2 =	seq.s32 s10, $0x1;
	s10 =	sld [smem:$0x3FB4]  }
0x3d: {  	_ =	shalt  }
0x3e: {  	_ =	shalt  }
0x3f: {  	_ =	shalt  }
0x40: {  	_ =	shalt  }
0x41: {  	_ =	shalt  }
0x42: {  	_ =	shalt  }
0x43: {  	_ =	shalt  }
0x44: {  	_ =	shalt  }
0x45: {  	_ =	shalt  }
0x46: {  	_ =	shalt  }
0x47: {  	_ =	shalt  }
0x48: {  	_ =	shalt  }
0x49: {  	_ =	shalt  }
0x4a: {  	_ =	shalt  }
0x4b: {  	_ =	shalt  }
0x4c: {  	_ =	shalt  }
0x4d: {  	_ =	shalt  }
0x4e: {  	_ =	shalt  }
0x4f: {  	_ =	shalt  }
0x50: {  	_ =	shalt  }
0x51: {  	_ =	shalt  }
0x52: {  	_ =	shalt  }
0x53: {  	_ =	shalt  }
0x54: {  	_ =	shalt  }
0x55: {  	_ =	shalt  }
0x56: {  	_ =	shalt  }
0x57: {  	_ =	shalt  }
0x58: {  	_ =	shalt  }
0x59: {  	_ =	shalt  }
0x5a: {  	_ =	shalt  }
0x5b: {  	_ =	shalt  }
0x5c: {  	_ =	shalt  }
0x5d: {  	_ =	shalt  }
0x5e: {  	_ =	shalt  }
0x5f: {  	_ =	shalt  }
0x60: {  	_ =	shalt  }
0x61: {  	_ =	shalt  }
0x62: {  	_ =	shalt  }
0x63: {  	_ =	shalt  }
0x64: {  	_ =	shalt  }
0x65: {  	_ =	shalt  }
0x66: {  	_ =	shalt  }
0x67: {  	_ =	shalt  }
0x68: {  	_ =	shalt  }
0x69: {  	_ =	shalt  }
0x6a: {  	_ =	shalt  }
0x6b: {  	_ =	shalt  }
0x6c: {  	_ =	shalt  }
0x6d: {  	_ =	shalt  }
0x6e: {  	_ =	shalt  }
0x6f: {  	_ =	shalt  }
0x70: {  	_ =	shalt  }
0x71: {  	_ =	shalt  }
0x72: {  	_ =	shalt  }
0x73: {  	_ =	shalt  }
0x74: {  	_ =	shalt  }
0x75: {  	_ =	shalt  }
0x76: {  	_ =	shalt  }
0x77: {  	_ =	shalt  }
0x78: {  	_ =	shalt  }
0x79: {  	_ =	shalt  }
0x7a: {  	_ =	shalt  }
0x7b: {  	_ =	shalt  }
0x7c: {  	_ =	shalt  }
0x7d: {  	_ =	shalt  }
0x7e: {  	_ =	shalt  }
0x7f: {  	_ =	shalt  }
0x80: {  	_ =	shalt  }
0x81: {  	_ =	shalt  }
0x82: {  	_ =	shalt  }
0x83: {  	_ =	shalt  }
0x84: {  	_ =	shalt  }
0x85: {  	_ =	shalt  }
0x86: {  	_ =	shalt  }
0x87: {  	_ =	shalt  }
.Lfunc_end0:
.L_simem_size_0:
called_computation.1_lowered:
.L_overlay_start_0:
0x88: {  	s2 =	sld [smem:$0x3FD9]  }
0x89: {  	s3 =	sld [smem:$0x3FFE];
	_ =	sdelay $0x1  }
0x8a: {  	s1 =	srdreg.scid  }
0x8b: {  	s0 =	sand.u32 $0x1, s1  }
0x8c: {  	s17 =	sshll.u32 s0, $0xA;
	s2 =	sadd.s32 s3, s2  }
0x8d: {  	s2 =	sadd.s32 s2, s17  }
0x8e: {  	[smem:$0x3FC0] =	sst s2  }
0x8f: {  	_ = 	snop  }
0x90: {  	s2 =	sld [smem:$0x3FD0];
	(tm) =	ssettm $0x1  }
0x91: {  	s18 =	sld [smem:$0x3FFB];
	_ =	sdelay $0x3  }
0x92: {  	_ =	strace s18  }
0x93: {  	s3 =	sld [smem:$0x3FFC];
	_ =	sdelay $0x3  }
0x94: {  	_ =	strace s3  }
0x95: {  	s3 =	sld [smem:$0x3FFD];
	_ =	sdelay $0x3  }
0x96: {  	_ =	strace s3  }
0x97: {  	_ =	strace $0x8FFFFFFF  }
0x98: {  	s19 =	sld [smem:$0x3FDB];
	_ =	sdelay $0x1  }
0x99: {  	s4 =	simm.s32 $_scs_section_size  }
0x9a: {  	s5 =	simm.s32 $_size__tile_overlayer_lowered;
	s6 =	simm.s32 $_tile_overlayer_lowered  }
0x9b: {  	s22 =	simm.s32 $0x1BFF;
	s21 =	sshll.u32 s6, $0x1;
	s3 =	sadd.s32 s4, s19  }
0x9c: {  	s7 =	simm.s32 $0x0;
	s20 =	sshll.u32 s5, $0x1;
	s5 =	sadd.s32 s21, s3  }
0x9d: {  	[timem:s7], [sflag:s22] =	dma.local [hbm:s5], s20  }
0x9e: {  	_ =	swait.ge [sflag:s22], s20  }
0x9f: {  	s4 =	ssub.s32 $0x0, s20;
	[sflag:s22] =	ssyncset.done $0x0  }
0xa0: {  	[sflag:s22] =	ssyncadd.s32 s4;
	_ =	sdelay $0x1  }
0xa1: {  	s23 =	simm.s32 $0x1B8B  }
0xa2: {  	_ =	swait.ge [sflag:s23], $0x1  }
0xa3: {  	[sflag:s23] =	ssyncset.done $0x0  }
0xa4: {  	s25 =	simm.s32 $0x1B8E;
	s24 =	sld [smem:$0x3FFE];
	[sflag:s23] =	ssyncadd.s32 $0xFFFFFFFF  }
0xa5: {  	s26 =	simm.s32 $execute0_lowered;
	[smem:$0x3FD2] =	sst s25  }
0xa6: {  	s5 =	sshll.u32 s26, $0x1;
	_ =	strace $0x80000049;
	[dreg:$0x1] =	wrdreg $0xFFFFFFFF  }
0xa7: {  	s28 =	simm.s32 $_size_execute0_lowered;
	s3 =	sadd.s32 s3, s5;
	[dreg:$0x0] =	wrdreg $0x0  }
0xa8: {  	s5 =	sshll.u32 s28, $0x1;
	[dreg:$0x2] =	wrdreg s3  }
0xa9: {  	[dreg:$0x3] =	wrdreg s5  }
0xaa: {  	[dreg:$0x4] =	wrdreg $0xC0  }
0xab: {  	_ =	task [dreg:s7], $0x5FFFF  }
0xac: {  	[dreg:$0x1] =	wrdreg $0xFFFFFFFF  }
0xad: {  	[dreg:$0x0] =	wrdreg $0x60  }
0xae: {  	[dreg:$0x2] =	wrdreg s24  }
0xaf: {  	[dreg:$0x3] =	wrdreg s2  }
0xb0: {  	[dreg:$0x4] =	wrdreg $0x4FB00  }
0xb1: {  	[dreg:$0x5] =	wrdreg $0xEFB00  }
0xb2: {  	[dreg:$0x6] =	wrdreg $0x9  }
0xb3: {  	_ =	task.clear_ibuf [dreg:s7], $0x7FFFF;
	_ =	strace $0x90000049  }
0xb4: {  	s29 =	simm.s32 $0x9;
	_ =	strace $0x8000004B  }
0xb5: {  	_ =	swait.ge [sflag:s29], $0x1  }
0xb6: {  	[sflag:s29] =	ssyncadd.s32 $0xFFFFFFFF  }
0xb7: {  	_ =	strace $0x9000004B  }
0xb8: {  	_ =	sfence  }
0xb9: {  	s30 =	sld [smem:$0x0];
	_ =	sdelay $0x2  }
0xba: {  	s31 =	sshll.u32 s1, $0xD;
	s1 =	sshrl.u32 s1, $0x2  }
0xbb: {  	s3 =	sand.u32 $0x4000, s31;
	s1 =	sadd.s32 s1, s30  }
0xbc: {  	s0 =	sor.u32 s3, s0;
	s1 =	sshll.u32 s1, $0x11  }
0xbd: {  	s0 =	sor.u32 s1, s0  }
0xbe: {  	s0 =	sadd.s32 $0x8F2B, s0  }
0xbf: {  	[sflag:s0] =	ssyncadd.remote.s32 $0x1  }
0xc0: {  	_ =	sfence.sel $0xFFFF  }
0xc1: {  	[dreg:$0x0] =	wrdreg $0xFFFFFFFF;
	(pc) =	sbr.abs _section_cstart, $3  }
0xc2: {  	[dreg:$0x1] =	wrdreg $0xFFFFFFFF  }
0xc3: {  	_ =	task.clear_ibuf [dreg:s7], $0x2FFFF;
	_ =	strace $0x9FFFFFFF  }
0xc4: {  	(tm) =	ssettm $0x7FFFFFFF  }
0xc5: {  	_ =	shalt  }
tec
execute0_lowered:
.L_overlay_start_1:
0x0: {  	(tag) =	ssettag $0x1  }
0x1: {  	s0 =	rddreg [dreg:$0x0];
	s15 =	stileid.u32  }
0x2: {  	s1 =	srdreg.scid;
	s3 =	rddreg [dreg:$0x2]  }
0x3: {  	s4 =	rddreg [dreg:$0x3];
	s5 =	simm.s32 $0x0;
	s19 =	simm.s32 $0x50  }
0x4: {  	s20 =	simm.s32 $0x27B0;
	s21 =	simm.s32 $0x2710;
	s22 =	simm.s32 $0x3BB0  }
0x5: {  	s23 =	simm.s32 $0x2760;
	s28 =	simm.s32 $0x2;
	s29 =	simm.s32 $0x4  }
0x6: {  	s30 =	simm.s32 $0x5;
	s31 =	simm.s32 $0x6;
	s1 =	sand.u32 $0x1, s1  }
0x7: {  	s2 =	sshll.u32 s15, $0x1;
	s7 =	smul.u32 $0xA000, s15;
	[smem:$0x7FF] =	sst s5  }
0x8: {  	s6 =	sadd.s32 $0x1C00, s0;
	s14 =	smul.u32 $0x4E20, s15;
	s26 =	sshll.u32 s15, $0x6  }
0x9: {  	s15 =	simm.s32 $0x7;
	s2 =	sor.u32 s1, s2;
	s11 =	smul.u32 $0x14000, s1  }
0xa: {  	_ =	strace $0x8000004A;
	s12 =	ssub.s32 $0x2, s1;
	s1 =	smul.u32 $0x2710, s1  }
0xb: {  	s16 =	sor.u32 $0x1C07, s26;
	s26 =	simm.s32 $0x3;
	s2 =	smul.u32 $0x2710, s2  }
0xc: {  	s8 =	sshrl.u32 s7, $0x3;
	s13 =	sshrl.u32 s12, $0x1;
	s17 =	sadd.s32 s7, s3  }
0xd: {  	s7 =	sadd.s32 s7, s4;
	s9 =	sadd.s32 s8, s0;
	s12 =	ssub.s32 s12, s13  }
0xe: {  	s1 =	sadd.s32 s1, s14;
	s17 =	sshrl.u32 s17, $0x3;
	s18 =	sshrl.u32 s7, $0x3  }
0xf: {  	s2 =	sshrl.u32 s2, $0x3;
	s9 =	sadd.s32 $0x15800, s9;
	s25 =	sadd.s32 $0xF0, s1  }
0x10: {  	s12 =	smax.u32 s12, $0x1;
	s14 =	sadd.s32 $0xA0, s1;
	s10 =	sadd.s32 s2, s0  }
0x11: {  	[dreg:$0x6] =	wrdreg s9;
	s9 =	sadd.s32 s6, s2;
	s10 =	sadd.s32 $0xBA00, s10  }
0x12: {  	s0 =	sadd.s32 s11, s0;
	s2 =	sadd.s32 $0xA, s9;
	[dreg:$0x5] =	wrdreg s10  }
0x13: {  	s24 =	sadd.s32 $0x4D8, s9;
	s0 =	sadd.s32 $0x3DC00, s0;
	[dreg:$0x7] =	wrdreg s2  }
0x14: {  	[dreg:$0x8] =	wrdreg s24;
	s2 =	sshrl.u32 s25, $0x3;
	s24 =	sadd.s32 s8, s0  }
0x15: {  	s25 =	simm.s32 $0x1;
	s0 =	simm.s32 $0x0;
	s13 =	sadd.s32 s2, s6  }
.LBB2_1:
0x16: {  	s1 =	rddreg [dreg:$0x5]  }
0x17: {  	[tilespmem:s5], [sflag:$0x7] =	stream.linear.gather [hbm4b:s1+s5], $0x2710, $0x38;
	[tilespmem:$0x18FB0] =	vst v63  }
0x18: {  	_ =	swait.ge [sflag:s15], $0x2710  }
0x19: {  	[sflag:s15] =	ssyncset.done $0x0  }
0x1a: {  	s11 =	rddreg [dreg:$0x6];
	[sflag:s15] =	ssyncadd.s32 $0xFFFFD8F0  }
0x1b: {  	[spmem:s17], [sflag:s16] =	dma.local [hbm:s11], $0x1400  }
0x1c: {  	_ =	swait.ge [sflag:s15], $0x1400  }
0x1d: {  	[sflag:s15] =	ssyncset.done $0x0  }
0x1e: {  	[sflag:s15] =	ssyncadd.s32 $0xFFFFEC00  }
0x1f: {  	s2 =	rddreg [dreg:$0x1]  }
0x20: {  	[spmem:s18], [sflag:s16] =	dma.local [hbm:s2], $0x1400  }
0x21: {  	_ =	swait.ge [sflag:s15], $0x1400  }
0x22: {  	[sflag:s15] =	ssyncset.done $0x0  }
0x23: {  	[sflag:s15] =	ssyncadd.s32 $0xFFFFEC00  }
0x24: {  	[bflag:$0x0] =	sbarrier.arrive $0xFFFF  }
0x25: {  	[tilespmem:s20], [sflag:$0x1] =	stream.indirect.gather [spmem:s3], $0x40, s5, s19, $0xb8;
	[tilespmem:$0x18FB0] =	vst v63  }
0x26: {  	_ = 	snop  }
0x27: {  	[tilespmem:s21], [sflag:$0x3] =	stream.linear.gather [hbm4b:s9+s5], $0x50, $0x38;
	[tilespmem:$0x18FB0] =	vst v63  }
0x28: {  	_ = 	snop  }
0x29: {  	[tilespmem:s22], [sflag:$0x2] =	stream.indirect.gather [spmem:s3], $0x40, s19, s19, $0xb8;
	[tilespmem:$0x18FB0] =	vst v63  }
0x2a: {  	s7 =	rddreg [dreg:$0x7]  }
0x2b: {  	[tilespmem:s23], [sflag:$0x4] =	stream.linear.gather [hbm4b:s7+s5], $0x50, $0x38;
	[tilespmem:$0x18FB0] =	vst v63  }
0x2c: {  	_ =	swait.ge [sflag:s25], $0x1400  }
0x2d: {  	[sflag:s25] =	ssyncset.done $0x0  }
0x2e: {  	[sflag:s25] =	ssyncadd.s32 $0xFFFFEC00  }
0x2f: {  	_ =	swait.ge [sflag:s26], $0x50  }
0x30: {  	[sflag:s26] =	ssyncset.done $0x0  }
0x31: {  	[sflag:s26] =	ssyncadd.s32 $0xFFFFFFB0  }
0x32: {  	[spmem:s4] =	stream.indirect.scatter.add.f32 [tilespmem:s20], [sflag:$0x5], $0x40, s21, s19, $0xb8;
	[tilespmem:$0x18FB0] =	vst v63  }
0x33: {  	_ =	swait.ge [sflag:s28], $0x1400  }
0x34: {  	[sflag:s28] =	ssyncset.done $0x0  }
0x35: {  	[sflag:s28] =	ssyncadd.s32 $0xFFFFEC00  }
0x36: {  	_ =	swait.ge [sflag:s29], $0x50  }
0x37: {  	[sflag:s29] =	ssyncset.done $0x0  }
0x38: {  	[sflag:s29] =	ssyncadd.s32 $0xFFFFFFB0  }
0x39: {  	[spmem:s4] =	stream.indirect.scatter.add.f32 [tilespmem:s22], [sflag:$0x6], $0x40, s23, s19, $0xb8;
	[tilespmem:$0x18FB0] =	vst v63  }
0x3a: {  	_ =	swait.ge [sflag:s30], $0x1400  }
0x3b: {  	[sflag:s30] =	ssyncset.done $0x0  }
0x3c: {  	s8 =	simm.s32 $0xA0;
	s2 =	sshrl.u32 s14, $0x3;
	[sflag:s30] =	ssyncadd.s32 $0xFFFFEC00  }
0x3d: {  	[tilespmem:s20], [sflag:$0x1] =	stream.indirect.gather [spmem:s3], $0x40, s8, s19, $0xb8;
	[tilespmem:$0x18FB0] =	vst v63  }
0x3e: {  	s10 =	sadd.s32 s6, s2  }
0x3f: {  	[tilespmem:s21], [sflag:$0x3] =	stream.linear.gather [hbm4b:s10+s5], $0x50, $0x38;
	[tilespmem:$0x18FB0] =	vst v63  }
0x40: {  	s1 =	simm.s32 $0x14;
	_ =	swait.ge [sflag:s31], $0x1400  }
0x41: {  	s11 =	simm.s32 $0xF0;
	s2 =	simm.s32 $0x190;
	[sflag:s31] =	ssyncset.done $0x0  }
0x42: {  	s7 =	sadd.s32 $0xA0, s14;
	s8 =	sadd.s32 $0x0, s13;
	[sflag:s31] =	ssyncadd.s32 $0xFFFFEC00  }
0x43: {  	[tilespmem:s22], [sflag:$0x2] =	stream.indirect.gather [spmem:s3], $0x40, s11, s19, $0xb8;
	[tilespmem:$0x18FB0] =	vst v63  }
.LBB2_2:
0x44: {  	[tilespmem:s23], [sflag:$0x4] =	stream.linear.gather [hbm4b:s8+s5], $0x50, $0x38;
	[tilespmem:$0x18FB0] =	vst v63  }
0x45: {  	s8 =	smov.u32 s1  }
0x46: {  	p0 =	sne.s32 s1, $0x4B0;
	s1 =	sadd.s32 $0x14, s1;
	_ =	swait.ge [sflag:s25], $0x1400  }
0x47: {  	[sflag:s25] =	ssyncset.done $0x0  }
0x48: {  	[sflag:s25] =	ssyncadd.s32 $0xFFFFEC00  }
0x49: {  	_ =	swait.ge [sflag:s26], $0x50  }
0x4a: {  	[sflag:s26] =	ssyncset.done $0x0  }
0x4b: {  	[sflag:s26] =	ssyncadd.s32 $0xFFFFFFB0  }
0x4c: {  	[spmem:s4] =	stream.indirect.scatter.add.f32 [tilespmem:s20], [sflag:$0x5], $0x40, s21, s19, $0xb8;
	[tilespmem:$0x18FB0] =	vst v63  }
0x4d: {  	_ =	swait.ge [sflag:s28], $0x1400  }
0x4e: {  	[sflag:s28] =	ssyncset.done $0x0  }
0x4f: {  	[sflag:s28] =	ssyncadd.s32 $0xFFFFEC00  }
0x50: {  	_ =	swait.ge [sflag:s29], $0x50  }
0x51: {  	[sflag:s29] =	ssyncset.done $0x0  }
0x52: {  	[sflag:s29] =	ssyncadd.s32 $0xFFFFFFB0  }
0x53: {  	[spmem:s4] =	stream.indirect.scatter.add.f32 [tilespmem:s22], [sflag:$0x6], $0x40, s23, s19, $0xb8;
	[tilespmem:$0x18FB0] =	vst v63  }
0x54: {  	_ =	swait.ge [sflag:s30], $0x1400  }
0x55: {  	[sflag:s30] =	ssyncset.done $0x0  }
0x56: {  	s10 =	sadd.s32 $0xFFFFFFB0, s2;
	s11 =	sshrl.u32 s7, $0x3;
	[sflag:s30] =	ssyncadd.s32 $0xFFFFEC00  }
0x57: {  	[tilespmem:s20], [sflag:$0x1] =	stream.indirect.gather [spmem:s3], $0x40, s10, s19, $0xb8;
	[tilespmem:$0x18FB0] =	vst v63  }
0x58: {  	s10 =	sadd.s32 s6, s11  }
0x59: {  	[tilespmem:s21], [sflag:$0x3] =	stream.linear.gather [hbm4b:s10+s5], $0x50, $0x38;
	[tilespmem:$0x18FB0] =	vst v63  }
.Ltmp0:
0x5a: {  	_ =	swait.ge [sflag:s31], $0x1400;
	(pc) =	sbr.rel @p0 .LBB2_2-.Ltmp0, $4  }
0x5b: {  	[sflag:s31] =	ssyncset.done $0x0  }
0x5c: {  	[sflag:s31] =	ssyncadd.s32 $0xFFFFEC00  }
0x5d: {  	[tilespmem:s22], [sflag:$0x2] =	stream.indirect.gather [spmem:s3], $0x40, s2, s19, $0xb8;
	[tilespmem:$0x18FB0] =	vst v63  }
0x5e: {  	s7 =	sadd.s32 $0xA0, s7;
	s8 =	sadd.s32 s8, s13;
	s2 =	sadd.s32 $0xA0, s2  }
0x5f: {  	[tilespmem:s23], [sflag:$0x4] =	stream.linear.gather [hbm4b:s8+s5], $0x50, $0x38;
	[tilespmem:$0x18FB0] =	vst v63  }
0x60: {  	_ =	swait.ge [sflag:s25], $0x1400  }
0x61: {  	[sflag:s25] =	ssyncset.done $0x0  }
0x62: {  	[sflag:s25] =	ssyncadd.s32 $0xFFFFEC00  }
0x63: {  	_ =	swait.ge [sflag:s26], $0x50  }
0x64: {  	[sflag:s26] =	ssyncset.done $0x0  }
0x65: {  	[sflag:s26] =	ssyncadd.s32 $0xFFFFFFB0  }
0x66: {  	[spmem:s4] =	stream.indirect.scatter.add.f32 [tilespmem:s20], [sflag:$0x5], $0x40, s21, s19, $0xb8;
	[tilespmem:$0x18FB0] =	vst v63  }
0x67: {  	_ =	swait.ge [sflag:s28], $0x1400  }
0x68: {  	[sflag:s28] =	ssyncset.done $0x0  }
0x69: {  	[sflag:s28] =	ssyncadd.s32 $0xFFFFEC00  }
0x6a: {  	_ =	swait.ge [sflag:s29], $0x50  }
0x6b: {  	[sflag:s29] =	ssyncset.done $0x0  }
0x6c: {  	[sflag:s29] =	ssyncadd.s32 $0xFFFFFFB0  }
0x6d: {  	[spmem:s4] =	stream.indirect.scatter.add.f32 [tilespmem:s22], [sflag:$0x6], $0x40, s23, s19, $0xb8;
	[tilespmem:$0x18FB0] =	vst v63  }
0x6e: {  	_ =	swait.ge [sflag:s30], $0x1400  }
0x6f: {  	[sflag:s30] =	ssyncset.done $0x0  }
0x70: {  	s1 =	simm.s32 $0x26C0;
	[sflag:s30] =	ssyncadd.s32 $0xFFFFEC00  }
0x71: {  	[tilespmem:s20], [sflag:$0x1] =	stream.indirect.gather [spmem:s3], $0x40, s1, s19, $0xb8;
	[tilespmem:$0x18FB0] =	vst v63  }
0x72: {  	s11 =	rddreg [dreg:$0x8]  }
0x73: {  	[tilespmem:s21], [sflag:$0x3] =	stream.linear.gather [hbm4b:s11+s5], $0x50, $0x38;
	[tilespmem:$0x18FB0] =	vst v63  }
0x74: {  	_ =	swait.ge [sflag:s25], $0x1400  }
0x75: {  	[sflag:s25] =	ssyncset.done $0x0  }
0x76: {  	[sflag:s25] =	ssyncadd.s32 $0xFFFFEC00  }
0x77: {  	_ =	swait.ge [sflag:s26], $0x50  }
0x78: {  	[sflag:s26] =	ssyncset.done $0x0  }
0x79: {  	[sflag:s26] =	ssyncadd.s32 $0xFFFFFFB0  }
0x7a: {  	[spmem:s4] =	stream.indirect.scatter.add.f32 [tilespmem:s20], [sflag:$0x5], $0x40, s21, s19, $0xb8;
	[tilespmem:$0x18FB0] =	vst v63  }
0x7b: {  	_ =	swait.ge [sflag:s31], $0x1400  }
0x7c: {  	[sflag:s31] =	ssyncset.done $0x0  }
0x7d: {  	[sflag:s31] =	ssyncadd.s32 $0xFFFFEC00  }
0x7e: {  	_ =	swait.ge [sflag:s30], $0x1400  }
0x7f: {  	s0 =	sadd.s32 $0x1, s0;
	[sflag:s30] =	ssyncset.done $0x0  }
0x80: {  	p0 =	sne.s32 s0, s12;
	[sflag:s30] =	ssyncadd.s32 $0xFFFFEC00  }
.Ltmp1:
0x81: {  	[bflag:$0x0] =	sbarrier.arrive $0xFFFF;
	(pc) =	sbr.rel @p0 .LBB2_1-.Ltmp1, $4  }
0x82: {  	[hbm:s24], [sflag:s16] =	dma.local [spmem:s18], $0x1400  }
0x83: {  	_ =	swait.ge [sflag:s15], $0x1400  }
0x84: {  	[sflag:s15] =	ssyncset.done $0x0  }
0x85: {  	[sflag:s15] =	ssyncadd.s32 $0xFFFFEC00  }
0x86: {  	_ =	sfence.sel $0x180000  }
0x87: {  	[bflag:$0x0] =	sbarrier.arrive $0xFFFF  }
0x88: {  	_ =	strace $0x9000004A  }
0x89: {  	s0 =	stileid.u32;
	[bflag:$0x2] =	sbarrier.arrive $0xFFFF  }
0x8a: {  	p0 =	sne.s32 s0, $0x0;
	s0 =	rddreg [dreg:$0x4]  }
0x8b: {  	s0 =	sadd.s32 @!p0 $0x100000, s0  }
0x8c: {  	[sflag:s0] =	ssyncadd.tile.s32 @!p0 $0x1;
	_ =	shalt  }
.Lfunc_end2:
_tile_overlayer_lowered:
.L_overlay_start_2:
0x8d: {  	(tag) =	ssettag $0x2  }
0x8e: {  	s0 =	rddreg [dreg:$0x0];
	s2 =	stileid.u32  }
0x8f: {  	s1 =	rddreg [dreg:$0x1];
	p0 =	sne.s32 s2, $0x0  }
0x90: {  	s3 =	rddreg [dreg:$0x2];
	[bflag:$0x3] =	sbarrier.arrive $0xFFFF;
	s2 =	simm.s32 @!p0 $0x1C07  }
0x91: {  	[timem:s3], [sflag:s2] =	dma.local @!p0 [hbm:s0], s1  }
0x92: {  	s0 =	simm.s32 @!p0 $0x7  }
0x93: {  	_ =	swait.ge @!p0 [sflag:s0], s1  }
0x94: {  	s1 =	ssub.s32 @!p0 $0x0, s1;
	[sflag:s0] =	ssyncset.done @!p0 $0x0  }
0x95: {  	[sflag:s0] =	ssyncadd.s32 @!p0 s1  }
0x96: {  	[bflag:$0x3] =	sbarrier.arrive $0xFFFF  }
0x97: {  	_ =	shalt  }

// kernel: kernel.7.cloned.1.call-start
scs
__scs_entry_jumppad:
0x0: {  	(pc) =	sbr.rel $0x88, $3  }
0x1: {  	(tag) =	ssettag $0x0;
	lr =	simm.s32 $0x1  }
0x2: {  	[smem:$0x3F99] =	sst lr;
	_ =	strace $0xD0000000  }
0x3: {  	_ = 	snop  }
0x4: {  	_ = 	snop  }
0x5: {  	_ = 	snop  }
0x6: {  	_ = 	snop  }
0x7: {  	_ = 	snop  }
__scs_overlays_trampoline_lowered:
0x8: {  	[smem:$0x3FA8] =	sst s0  }
0x9: {  	[smem:$0x3FA9] =	sst s1  }
0xa: {  	[smem:$0x3FAA] =	sst s2  }
0xb: {  	[smem:$0x3FAB] =	sst s3  }
0xc: {  	[smem:$0x3FAC] =	sst s4  }
0xd: {  	[smem:$0x3FAD] =	sst s5  }
0xe: {  	[smem:$0x3FAE] =	sst s6  }
0xf: {  	[smem:$0x3FAF] =	sst s7  }
0x10: {  	[smem:$0x3FB0] =	sst s8  }
0x11: {  	[smem:$0x3FB1] =	sst s9;
	s0 =	simm.s32 @!p0 $0x0  }
0x12: {  	s1 =	sld [smem:$0x3F97];
	s0 =	simm.s32 @p0 $0x1  }
0x13: {  	[smem:$0x3FB2] =	sst s0;
	s0 =	simm.s32 @!p1 $0x0  }
0x14: {  	s2 =	sld [smem:$0x3F96];
	s0 =	simm.s32 @p1 $0x1  }
0x15: {  	[smem:$0x3FB3] =	sst s0;
	s0 =	simm.s32 @!p2 $0x0  }
0x16: {  	s3 =	sld [smem:$0x3FDB];
	s0 =	simm.s32 @p2 $0x1  }
0x17: {  	s4 =	simm.s32 $0x1BF5;
	[smem:$0x3FB5] =	sst s0  }
0x18: {  	s0 =	sld [smem:$0x3F98];
	_ =	swait.ge [sflag:s4], $0x0  }
0x19: {  	s7 =	sld [smem:$0x3F99]  }
0x1a: {  	s8 =	sadd.s32 $0xFFFFE003, lr  }
0x1b: {  	s9 =	sadd.s32 $0xFFFFFEF7, lr;
	s5 =	simm.s32 $0xFFFFFFFF;
	p2 =	slt.u32 s8, $0xFFFFF086  }
0x1c: {  	p1 =	slt.u32 s9, $0xF7A;
	s5 =	simm.s32 @!p2 $0x0  }
0x1d: {  	s5 =	simm.s32 @p1 $0x1;
	p0 =	seq.s32 s7, s2  }
0x1e: {  	s7 =	smul.u32 @!p0 $0xF7A, s2;
	p2 =	seq.s32 @!p0 s5, $0x0  }
0x1f: {  	s9 =	smul.u32 $0xF7A, s1;
	s8 =	simm.s32 @!p0 $0x1BF5;
	p2 =	por !p2, p0  }
0x20: {  	[sflag:s8] =	ssyncset.s32 @!p0 $0xFFFFF086;
	s6 =	sadd.s32 @!p0 s3, s7;
	s7 =	simm.s32 @!p0 $0x108  }
0x21: {  	s3 =	sadd.s32 s3, s9;
	s6 =	sadd.s32 @!p0 $0x88, s6;
	s7 =	simm.s32 @p2 $0x1082  }
0x22: {  	[simem:s7], [sflag:s8] =	dma.local @!p0 [hbm:s6], $0xF7A  }
0x23: {  	s9 =	sor.u32 $0xD0000000, s2;
	s6 =	simm.s32 $0x108;
	_ =	swait.ge @!p0 [sflag:s8], $0x0  }
0x24: {  	s3 =	sadd.s32 $0x88, s3;
	s6 =	simm.s32 @!p1 $0x1082;
	[sflag:s4] =	ssyncset.s32 $0xFFFFF086  }
0x25: {  	[simem:s6], [sflag:s4] =	dma.local [hbm:s3], $0xF7A  }
0x26: {  	[smem:$0x3F99] =	sst s1;
	(tag) =	ssettag s2;
	_ =	strace s9  }
0x27: {  	s1 =	sld [smem:$0x3FA9]  }
0x28: {  	s2 =	sld [smem:$0x3FAA]  }
0x29: {  	s4 =	sld [smem:$0x3FAC]  }
0x2a: {  	p0 =	seq.s32 s5, $0x0;
	s5 =	sld [smem:$0x3FAD]  }
0x2b: {  	s6 =	sld [smem:$0x3FAE]  }
0x2c: {  	s7 =	sld [smem:$0x3FAF]  }
0x2d: {  	s3 =	simm.s32 $0x108;
	s8 =	sld [smem:$0x3FB0]  }
0x2e: {  	s3 =	simm.s32 @!p0 $0x1082;
	s9 =	sld [smem:$0x3FB1]  }
0x2f: {  	lr =	sadd.s32 s0, s3;
	s0 =	sld [smem:$0x3FA8]  }
0x30: {  	s3 =	sld [smem:$0x3FAB]  }
0x31: {  	[smem:$0x3FB4] =	sst s10  }
0x32: {  	s10 =	sld [smem:$0x3FB2];
	_ =	sdelay $0x3  }
0x33: {  	p0 =	seq.s32 s10, $0x1;
	s10 =	sld [smem:$0x3FB4];
	_ =	sdelay $0x3  }
0x34: {  	[smem:$0x3FB4] =	sst s10  }
0x35: {  	s10 =	sld [smem:$0x3FB3];
	_ =	sdelay $0x3  }
0x36: {  	p1 =	seq.s32 s10, $0x1;
	s10 =	sld [smem:$0x3FB4];
	_ =	sdelay $0x3  }
0x37: {  	[smem:$0x3FB4] =	sst s10  }
0x38: {  	s10 =	sld [smem:$0x3FB5]  }
0x39: {  	_ = 	snop;
	(pc) =	sbr.ind lr, $3  }
0x3a: {  	_ = 	snop  }
0x3b: {  	_ = 	snop  }
0x3c: {  	p2 =	seq.s32 s10, $0x1;
	s10 =	sld [smem:$0x3FB4]  }
0x3d: {  	_ =	shalt  }
0x3e: {  	_ =	shalt  }
0x3f: {  	_ =	shalt  }
0x40: {  	_ =	shalt  }
0x41: {  	_ =	shalt  }
0x42: {  	_ =	shalt  }
0x43: {  	_ =	shalt  }
0x44: {  	_ =	shalt  }
0x45: {  	_ =	shalt  }
0x46: {  	_ =	shalt  }
0x47: {  	_ =	shalt  }
0x48: {  	_ =	shalt  }
0x49: {  	_ =	shalt  }
0x4a: {  	_ =	shalt  }
0x4b: {  	_ =	shalt  }
0x4c: {  	_ =	shalt  }
0x4d: {  	_ =	shalt  }
0x4e: {  	_ =	shalt  }
0x4f: {  	_ =	shalt  }
0x50: {  	_ =	shalt  }
0x51: {  	_ =	shalt  }
0x52: {  	_ =	shalt  }
0x53: {  	_ =	shalt  }
0x54: {  	_ =	shalt  }
0x55: {  	_ =	shalt  }
0x56: {  	_ =	shalt  }
0x57: {  	_ =	shalt  }
0x58: {  	_ =	shalt  }
0x59: {  	_ =	shalt  }
0x5a: {  	_ =	shalt  }
0x5b: {  	_ =	shalt  }
0x5c: {  	_ =	shalt  }
0x5d: {  	_ =	shalt  }
0x5e: {  	_ =	shalt  }
0x5f: {  	_ =	shalt  }
0x60: {  	_ =	shalt  }
0x61: {  	_ =	shalt  }
0x62: {  	_ =	shalt  }
0x63: {  	_ =	shalt  }
0x64: {  	_ =	shalt  }
0x65: {  	_ =	shalt  }
0x66: {  	_ =	shalt  }
0x67: {  	_ =	shalt  }
0x68: {  	_ =	shalt  }
0x69: {  	_ =	shalt  }
0x6a: {  	_ =	shalt  }
0x6b: {  	_ =	shalt  }
0x6c: {  	_ =	shalt  }
0x6d: {  	_ =	shalt  }
0x6e: {  	_ =	shalt  }
0x6f: {  	_ =	shalt  }
0x70: {  	_ =	shalt  }
0x71: {  	_ =	shalt  }
0x72: {  	_ =	shalt  }
0x73: {  	_ =	shalt  }
0x74: {  	_ =	shalt  }
0x75: {  	_ =	shalt  }
0x76: {  	_ =	shalt  }
0x77: {  	_ =	shalt  }
0x78: {  	_ =	shalt  }
0x79: {  	_ =	shalt  }
0x7a: {  	_ =	shalt  }
0x7b: {  	_ =	shalt  }
0x7c: {  	_ =	shalt  }
0x7d: {  	_ =	shalt  }
0x7e: {  	_ =	shalt  }
0x7f: {  	_ =	shalt  }
0x80: {  	_ =	shalt  }
0x81: {  	_ =	shalt  }
0x82: {  	_ =	shalt  }
0x83: {  	_ =	shalt  }
0x84: {  	_ =	shalt  }
0x85: {  	_ =	shalt  }
0x86: {  	_ =	shalt  }
0x87: {  	_ =	shalt  }
.Lfunc_end0:
.L_simem_size_0:
called_computation_lowered:
.L_overlay_start_0:
0x88: {  	s2 =	sld [smem:$0x3FD9]  }
0x89: {  	s3 =	sld [smem:$0x3FFE];
	_ =	sdelay $0x1  }
0x8a: {  	s1 =	srdreg.scid  }
0x8b: {  	s0 =	sand.u32 $0x1, s1  }
0x8c: {  	s17 =	sshll.u32 s0, $0xA;
	s2 =	sadd.s32 s3, s2  }
0x8d: {  	s2 =	sadd.s32 s2, s17  }
0x8e: {  	[smem:$0x3FC0] =	sst s2  }
0x8f: {  	_ = 	snop  }
0x90: {  	s2 =	sld [smem:$0x3FD0];
	(tm) =	ssettm $0x1  }
0x91: {  	s18 =	sld [smem:$0x3FFB];
	_ =	sdelay $0x3  }
0x92: {  	_ =	strace s18  }
0x93: {  	s3 =	sld [smem:$0x3FFC];
	_ =	sdelay $0x3  }
0x94: {  	_ =	strace s3  }
0x95: {  	s3 =	sld [smem:$0x3FFD];
	_ =	sdelay $0x3  }
0x96: {  	_ =	strace s3  }
0x97: {  	_ =	strace $0x8FFFFFFF  }
0x98: {  	s19 =	sld [smem:$0x3FDB];
	_ =	sdelay $0x1  }
0x99: {  	s4 =	simm.s32 $_scs_section_size  }
0x9a: {  	s5 =	simm.s32 $_size__tile_overlayer_lowered;
	s6 =	simm.s32 $_tile_overlayer_lowered  }
0x9b: {  	s22 =	simm.s32 $0x1BFF;
	s21 =	sshll.u32 s6, $0x1;
	s3 =	sadd.s32 s4, s19  }
0x9c: {  	s7 =	simm.s32 $0x0;
	s20 =	sshll.u32 s5, $0x1;
	s5 =	sadd.s32 s21, s3  }
0x9d: {  	[timem:s7], [sflag:s22] =	dma.local [hbm:s5], s20  }
0x9e: {  	_ =	swait.ge [sflag:s22], s20  }
0x9f: {  	s4 =	ssub.s32 $0x0, s20;
	[sflag:s22] =	ssyncset.done $0x0  }
0xa0: {  	[sflag:s22] =	ssyncadd.s32 s4;
	_ =	sdelay $0x1  }
0xa1: {  	s23 =	simm.s32 $0x1B8B  }
0xa2: {  	_ =	swait.ge [sflag:s23], $0x1  }
0xa3: {  	[sflag:s23] =	ssyncset.done $0x0  }
0xa4: {  	s25 =	simm.s32 $0x1B8E;
	s24 =	sld [smem:$0x3FFE];
	[sflag:s23] =	ssyncadd.s32 $0xFFFFFFFF  }
0xa5: {  	s26 =	simm.s32 $execute0_lowered;
	[smem:$0x3FD2] =	sst s25  }
0xa6: {  	s5 =	sshll.u32 s26, $0x1;
	_ =	strace $0x80000046;
	[dreg:$0x1] =	wrdreg $0xFFFFFFFF  }
0xa7: {  	s28 =	simm.s32 $_size_execute0_lowered;
	s3 =	sadd.s32 s3, s5;
	[dreg:$0x0] =	wrdreg $0x0  }
0xa8: {  	s5 =	sshll.u32 s28, $0x1;
	[dreg:$0x2] =	wrdreg s3  }
0xa9: {  	[dreg:$0x3] =	wrdreg s5  }
0xaa: {  	[dreg:$0x4] =	wrdreg $0xC0  }
0xab: {  	_ =	task [dreg:s7], $0x5FFFF  }
0xac: {  	[dreg:$0x1] =	wrdreg $0xFFFFFFFF  }
0xad: {  	[dreg:$0x0] =	wrdreg $0x60  }
0xae: {  	[dreg:$0x2] =	wrdreg s24  }
0xaf: {  	[dreg:$0x3] =	wrdreg s2  }
0xb0: {  	[dreg:$0x4] =	wrdreg $0x91800  }
0xb1: {  	[dreg:$0x5] =	wrdreg $0x1D1800  }
0xb2: {  	[dreg:$0x6] =	wrdreg $0x9  }
0xb3: {  	_ =	task.clear_ibuf [dreg:s7], $0x7FFFF;
	_ =	strace $0x90000046  }
0xb4: {  	s29 =	simm.s32 $0x9;
	_ =	strace $0x80000048  }
0xb5: {  	_ =	swait.ge [sflag:s29], $0x1  }
0xb6: {  	[sflag:s29] =	ssyncadd.s32 $0xFFFFFFFF  }
0xb7: {  	_ =	strace $0x90000048  }
0xb8: {  	_ =	sfence  }
0xb9: {  	s30 =	sld [smem:$0x0];
	_ =	sdelay $0x2  }
0xba: {  	s31 =	sshll.u32 s1, $0xD;
	s1 =	sshrl.u32 s1, $0x2  }
0xbb: {  	s3 =	sand.u32 $0x4000, s31;
	s1 =	sadd.s32 s1, s30  }
0xbc: {  	s0 =	sor.u32 s3, s0;
	s1 =	sshll.u32 s1, $0x11  }
0xbd: {  	s0 =	sor.u32 s1, s0  }
0xbe: {  	s0 =	sadd.s32 $0x8F2B, s0  }
0xbf: {  	[sflag:s0] =	ssyncadd.remote.s32 $0x1  }
0xc0: {  	_ =	sfence.sel $0xFFFF  }
0xc1: {  	[dreg:$0x0] =	wrdreg $0xFFFFFFFF;
	(pc) =	sbr.abs _section_cstart, $3  }
0xc2: {  	[dreg:$0x1] =	wrdreg $0xFFFFFFFF  }
0xc3: {  	_ =	task.clear_ibuf [dreg:s7], $0x2FFFF;
	_ =	strace $0x9FFFFFFF  }
0xc4: {  	(tm) =	ssettm $0x7FFFFFFF  }
0xc5: {  	_ =	shalt  }
tec
execute0_lowered:
.L_overlay_start_1:
0x0: {  	(tag) =	ssettag $0x1  }
0x1: {  	s0 =	rddreg [dreg:$0x0]  }
0x2: {  	s6 =	rddreg [dreg:$0x1]  }
0x3: {  	s1 =	rddreg [dreg:$0x2]  }
0x4: {  	s2 =	rddreg [dreg:$0x3];
	s3 =	simm.s32 $0x0  }
0x5: {  	s4 =	srdreg.scid;
	s14 =	stileid.u32;
	s29 =	simm.s32 $0x6900  }
0x6: {  	s30 =	simm.s32 $0x4080;
	s31 =	simm.s32 $0x1;
	s28 =	simm.s32 $0x4  }
0x7: {  	[smem:$0x7FF] =	sst s3;
	s7 =	sand.u32 $0x1, s4;
	s4 =	sadd.s32 $0x15800, s0  }
0x8: {  	s5 =	sadd.s32 $0x1C00, s0;
	s9 =	sadd.s32 $0x3DC00, s0;
	s12 =	smul.u32 $0x50000, s14  }
0x9: {  	s18 =	sadd.s32 $0x3D800, s0;
	s19 =	sadd.s32 $0x3DA00, s0;
	s24 =	smul.u32 $0xA00, s14  }
0xa: {  	s25 =	smul.u32 $0x4E20, s14;
	_ =	strace $0x80000047;
	[dreg:$0x5] =	wrdreg s9  }
0xb: {  	s10 =	sshll.u32 s14, $0x1;
	s15 =	smul.u32 $0xA0, s14;
	[dreg:$0x6] =	wrdreg s18  }
0xc: {  	s8 =	smul.u32 $0x28000, s7;
	[dreg:$0x7] =	wrdreg s19;
	s20 =	sshll.u32 s7, $0x4  }
0xd: {  	s21 =	ssub.s32 $0x2, s7;
	s10 =	sor.u32 s7, s10;
	s7 =	smul.u32 $0x2710, s7  }
0xe: {  	s18 =	simm.s32 $0x7;
	s11 =	sshrl.u32 s21, $0x1;
	s22 =	sshll.u32 s10, $0xB  }
0xf: {  	s10 =	smul.u32 $0x2710, s10;
	s23 =	sshrl.u32 s12, $0x2;
	s13 =	sshrl.u32 s24, $0x2  }
0x10: {  	s8 =	sadd.s32 s8, s0;
	s0 =	sadd.s32 s20, s0;
	s9 =	ssub.s32 s21, s11  }
0x11: {  	s6 =	sadd.s32 s6, s22;
	s11 =	sadd.s32 s13, s2;
	s7 =	sadd.s32 s7, s25  }
0x12: {  	s21 =	simm.s32 $0x9100;
	[dreg:$0x8] =	wrdreg s6;
	s6 =	sadd.s32 s23, s1  }
0x13: {  	s10 =	sshrl.u32 s10, $0x3;
	[dreg:$0xa] =	wrdreg s11;
	s8 =	sadd.s32 $0x40E00, s8  }
0x14: {  	s11 =	smul.u32 $0x2800, s14;
	s0 =	sadd.s32 $0x40400, s0;
	s24 =	sadd.s32 $0xF0, s7  }
0x15: {  	s9 =	smax.u32 s9, $0x1;
	s16 =	sadd.s32 $0xA0, s7;
	s23 =	simm.s32 $0x50  }
0x16: {  	s7 =	simm.s32 $0x2;
	s10 =	sadd.s32 s5, s10;
	[dreg:$0xd] =	wrdreg s9  }
0x17: {  	s25 =	sshrl.u32 s24, $0x3;
	s20 =	sshrl.u32 s6, $0x3;
	s24 =	sadd.s32 s15, s0  }
0x18: {  	s0 =	simm.s32 $0x3;
	s6 =	simm.s32 $0x5;
	s9 =	simm.s32 $0x0  }
0x19: {  	s26 =	sadd.s32 $0xA, s10;
	[dreg:$0x9] =	wrdreg s10;
	s10 =	sadd.s32 $0x4D8, s10  }
0x1a: {  	s17 =	sadd.s32 s25, s5;
	s22 =	sadd.s32 s11, s8;
	s25 =	simm.s32 $0x4100  }
0x1b: {  	s8 =	simm.s32 $0x6;
	[dreg:$0xb] =	wrdreg s26;
	s26 =	sshll.u32 s14, $0x6  }
0x1c: {  	[dreg:$0xc] =	wrdreg s10;
	s19 =	sor.u32 $0x1C07, s26;
	s26 =	simm.s32 $0x4000  }
.LBB2_1:
0x1d: {  	s10 =	rddreg [dreg:$0x8]  }
0x1e: {  	[tilespmem:s3], [sflag:$0x7] =	stream.linear.gather [hbm4b:s10+s3], $0x3E80, $0x38;
	[tilespmem:$0x1D400] =	vst v63  }
0x1f: {  	_ =	swait.ge [sflag:s18], $0x3E80  }
0x20: {  	[sflag:s18] =	ssyncset.done $0x0  }
0x21: {  	s12 =	rddreg [dreg:$0x5];
	[sflag:s18] =	ssyncadd.s32 $0xFFFFC180  }
0x22: {  	[spmem:s20], [sflag:s19] =	dma.local [hbm:s12], $0x2800  }
0x23: {  	_ =	swait.ge [sflag:s18], $0x2800  }
0x24: {  	[sflag:s18] =	ssyncset.done $0x0;
	s13 =	rddreg [dreg:$0xa]  }
0x25: {  	s11 =	rddreg [dreg:$0x6];
	[sflag:s18] =	ssyncadd.s32 $0xFFFFD800;
	s10 =	sshrl.u32 s13, $0x3  }
0x26: {  	[spmem:s10], [sflag:s19] =	dma.local [hbm:s11], $0x50  }
0x27: {  	_ =	swait.ge [sflag:s18], $0x50  }
0x28: {  	[sflag:s18] =	ssyncset.done $0x0  }
0x29: {  	s14 =	rddreg [dreg:$0x7];
	[sflag:s18] =	ssyncadd.s32 $0xFFFFFFB0  }
0x2a: {  	[tilespmem:s21], [sflag:$0x7] =	stream.linear.gather [hbm4b:s14+s3], $0x80, $0x38;
	[tilespmem:$0x1D400] =	vst v63  }
0x2b: {  	_ =	swait.ge [sflag:s18], $0x80  }
0x2c: {  	[sflag:s18] =	ssyncset.done $0x0  }
0x2d: {  	[sflag:s18] =	ssyncadd.s32 $0xFFFFFF80  }
0x2e: {  	[bflag:$0x0] =	sbarrier.arrive $0xFFFF  }
0x2f: {  	[tilespmem:s25], [sflag:$0x1] =	stream.indirect.gather [hbm4b:s4+s23], $0x80, s3, s23, $0xb8;
	[tilespmem:$0x1D400] =	vst v63  }
0x30: {  	s15 =	rddreg [dreg:$0x9]  }
0x31: {  	[tilespmem:s26], [sflag:$0x3] =	stream.linear.gather [hbm4b:s15+s3], $0x50, $0x38;
	[tilespmem:$0x1D400] =	vst v63  }
0x32: {  	s12 =	simm.s32 $0x80  }
0x33: {  	[tilespmem:s29], [sflag:$0x2] =	stream.indirect.gather [hbm4b:s4+s23], $0x80, s12, s23, $0xb8;
	[tilespmem:$0x1D400] =	vst v63  }
0x34: {  	s13 =	rddreg [dreg:$0xb]  }
0x35: {  	[tilespmem:s30], [sflag:$0x4] =	stream.linear.gather [hbm4b:s13+s3], $0x50, $0x38;
	[tilespmem:$0x1D400] =	vst v63  }
0x36: {  	_ =	swait.ge [sflag:s31], $0x2800  }
0x37: {  	[sflag:s31] =	ssyncset.done $0x0  }
0x38: {  	[sflag:s31] =	ssyncadd.s32 $0xFFFFD800  }
0x39: {  	_ =	swait.ge [sflag:s0], $0x50  }
0x3a: {  	[sflag:s0] =	ssyncset.done $0x0  }
0x3b: {  	[sflag:s0] =	ssyncadd.s32 $0xFFFFFFB0  }
0x3c: {  	[spmem:s1] =	stream.indirect.scatter.add.f32 [tilespmem:s25], [sflag:$0x5], $0x80, s26, s23, $0xb8;
	[tilespmem:$0x1D400] =	vst v63  }
0x3d: {  	_ = 	snop  }
0x3e: {  	[spmem:s2] =	stream.indirect.scatter.add.f32 [tilespmem:s21], [sflag:$0x5], $0x1, s26, s23, $0xb8;
	[tilespmem:$0x1D400] =	vst v63  }
0x3f: {  	_ =	swait.ge [sflag:s7], $0x2800  }
0x40: {  	[sflag:s7] =	ssyncset.done $0x0  }
0x41: {  	[sflag:s7] =	ssyncadd.s32 $0xFFFFD800  }
0x42: {  	_ =	swait.ge [sflag:s28], $0x50  }
0x43: {  	[sflag:s28] =	ssyncset.done $0x0  }
0x44: {  	[sflag:s28] =	ssyncadd.s32 $0xFFFFFFB0  }
0x45: {  	[spmem:s1] =	stream.indirect.scatter.add.f32 [tilespmem:s29], [sflag:$0x6], $0x80, s30, s23, $0xb8;
	[tilespmem:$0x1D400] =	vst v63  }
0x46: {  	_ = 	snop  }
0x47: {  	[spmem:s2] =	stream.indirect.scatter.add.f32 [tilespmem:s21], [sflag:$0x6], $0x1, s30, s23, $0xb8;
	[tilespmem:$0x1D400] =	vst v63  }
0x48: {  	_ =	swait.ge [sflag:s6], $0x2800  }
0x49: {  	[sflag:s6] =	ssyncset.done $0x0  }
0x4a: {  	[sflag:s6] =	ssyncadd.s32 $0xFFFFD800  }
0x4b: {  	_ =	swait.ge [sflag:s6], $0x50  }
0x4c: {  	[sflag:s6] =	ssyncset.done $0x0  }
0x4d: {  	s12 =	simm.s32 $0x100;
	s13 =	sshrl.u32 s16, $0x3;
	[sflag:s6] =	ssyncadd.s32 $0xFFFFFFB0  }
0x4e: {  	[tilespmem:s25], [sflag:$0x1] =	stream.indirect.gather [hbm4b:s4+s23], $0x80, s12, s23, $0xb8;
	[tilespmem:$0x1D400] =	vst v63  }
0x4f: {  	s14 =	sadd.s32 s5, s13  }
0x50: {  	[tilespmem:s26], [sflag:$0x3] =	stream.linear.gather [hbm4b:s14+s3], $0x50, $0x38;
	[tilespmem:$0x1D400] =	vst v63  }
0x51: {  	_ =	swait.ge [sflag:s8], $0x2800  }
0x52: {  	[sflag:s8] =	ssyncset.done $0x0  }
0x53: {  	[sflag:s8] =	ssyncadd.s32 $0xFFFFD800  }
0x54: {  	_ =	swait.ge [sflag:s8], $0x50  }
0x55: {  	[sflag:s8] =	ssyncset.done $0x0  }
0x56: {  	s15 =	simm.s32 $0x180;
	s13 =	simm.s32 $0x200;
	[sflag:s8] =	ssyncadd.s32 $0xFFFFFFB0  }
0x57: {  	[tilespmem:s29], [sflag:$0x2] =	stream.indirect.gather [hbm4b:s4+s23], $0x80, s15, s23, $0xb8;
	[tilespmem:$0x1D400] =	vst v63  }
0x58: {  	s12 =	simm.s32 $0x14;
	s14 =	sadd.s32 $0xA0, s16;
	s15 =	sadd.s32 $0x0, s17  }
.LBB2_2:
0x59: {  	[tilespmem:s30], [sflag:$0x4] =	stream.linear.gather [hbm4b:s15+s3], $0x50, $0x38;
	[tilespmem:$0x1D400] =	vst v63  }
0x5a: {  	s15 =	smov.u32 s12  }
0x5b: {  	p0 =	sne.s32 s12, $0x4B0;
	s12 =	sadd.s32 $0x14, s12;
	_ =	swait.ge [sflag:s31], $0x2800  }
0x5c: {  	[sflag:s31] =	ssyncset.done $0x0  }
0x5d: {  	[sflag:s31] =	ssyncadd.s32 $0xFFFFD800  }
0x5e: {  	_ =	swait.ge [sflag:s0], $0x50  }
0x5f: {  	[sflag:s0] =	ssyncset.done $0x0  }
0x60: {  	[sflag:s0] =	ssyncadd.s32 $0xFFFFFFB0  }
0x61: {  	[spmem:s1] =	stream.indirect.scatter.add.f32 [tilespmem:s25], [sflag:$0x5], $0x80, s26, s23, $0xb8;
	[tilespmem:$0x1D400] =	vst v63  }
0x62: {  	_ = 	snop  }
0x63: {  	[spmem:s2] =	stream.indirect.scatter.add.f32 [tilespmem:s21], [sflag:$0x5], $0x1, s26, s23, $0xb8;
	[tilespmem:$0x1D400] =	vst v63  }
0x64: {  	_ =	swait.ge [sflag:s7], $0x2800  }
0x65: {  	[sflag:s7] =	ssyncset.done $0x0  }
0x66: {  	[sflag:s7] =	ssyncadd.s32 $0xFFFFD800  }
0x67: {  	_ =	swait.ge [sflag:s28], $0x50  }
0x68: {  	[sflag:s28] =	ssyncset.done $0x0  }
0x69: {  	[sflag:s28] =	ssyncadd.s32 $0xFFFFFFB0  }
0x6a: {  	[spmem:s1] =	stream.indirect.scatter.add.f32 [tilespmem:s29], [sflag:$0x6], $0x80, s30, s23, $0xb8;
	[tilespmem:$0x1D400] =	vst v63  }
0x6b: {  	_ = 	snop  }
0x6c: {  	[spmem:s2] =	stream.indirect.scatter.add.f32 [tilespmem:s21], [sflag:$0x6], $0x1, s30, s23, $0xb8;
	[tilespmem:$0x1D400] =	vst v63  }
0x6d: {  	_ =	swait.ge [sflag:s6], $0x2800  }
0x6e: {  	[sflag:s6] =	ssyncset.done $0x0  }
0x6f: {  	[sflag:s6] =	ssyncadd.s32 $0xFFFFD800  }
0x70: {  	_ =	swait.ge [sflag:s6], $0x50  }
0x71: {  	[sflag:s6] =	ssyncset.done $0x0  }
0x72: {  	s11 =	sshrl.u32 s14, $0x3;
	[sflag:s6] =	ssyncadd.s32 $0xFFFFFFB0  }
0x73: {  	[tilespmem:s25], [sflag:$0x1] =	stream.indirect.gather [hbm4b:s4+s23], $0x80, s13, s23, $0xb8;
	[tilespmem:$0x1D400] =	vst v63  }
0x74: {  	s11 =	sadd.s32 s5, s11  }
0x75: {  	[tilespmem:s26], [sflag:$0x3] =	stream.linear.gather [hbm4b:s11+s3], $0x50, $0x38;
	[tilespmem:$0x1D400] =	vst v63  }
0x76: {  	_ =	swait.ge [sflag:s8], $0x2800  }
0x77: {  	[sflag:s8] =	ssyncset.done $0x0  }
0x78: {  	[sflag:s8] =	ssyncadd.s32 $0xFFFFD800  }
.Ltmp0:
0x79: {  	_ =	swait.ge [sflag:s8], $0x50;
	(pc) =	sbr.rel @p0 .LBB2_2-.Ltmp0, $4  }
0x7a: {  	[sflag:s8] =	ssyncset.done $0x0  }
0x7b: {  	s11 =	sadd.s32 $0x80, s13;
	[sflag:s8] =	ssyncadd.s32 $0xFFFFFFB0  }
0x7c: {  	[tilespmem:s29], [sflag:$0x2] =	stream.indirect.gather [hbm4b:s4+s23], $0x80, s11, s23, $0xb8;
	[tilespmem:$0x1D400] =	vst v63  }
0x7d: {  	s14 =	sadd.s32 $0xA0, s14;
	s15 =	sadd.s32 s15, s17;
	s13 =	sadd.s32 $0x100, s13  }
0x7e: {  	[tilespmem:s30], [sflag:$0x4] =	stream.linear.gather [hbm4b:s15+s3], $0x50, $0x38;
	[tilespmem:$0x1D400] =	vst v63  }
0x7f: {  	_ =	swait.ge [sflag:s31], $0x2800  }
0x80: {  	[sflag:s31] =	ssyncset.done $0x0  }
0x81: {  	[sflag:s31] =	ssyncadd.s32 $0xFFFFD800  }
0x82: {  	_ =	swait.ge [sflag:s0], $0x50  }
0x83: {  	[sflag:s0] =	ssyncset.done $0x0  }
0x84: {  	[sflag:s0] =	ssyncadd.s32 $0xFFFFFFB0  }
0x85: {  	[spmem:s1] =	stream.indirect.scatter.add.f32 [tilespmem:s25], [sflag:$0x5], $0x80, s26, s23, $0xb8;
	[tilespmem:$0x1D400] =	vst v63  }
0x86: {  	_ = 	snop  }
0x87: {  	[spmem:s2] =	stream.indirect.scatter.add.f32 [tilespmem:s21], [sflag:$0x5], $0x1, s26, s23, $0xb8;
	[tilespmem:$0x1D400] =	vst v63  }
0x88: {  	_ =	swait.ge [sflag:s7], $0x2800  }
0x89: {  	[sflag:s7] =	ssyncset.done $0x0  }
0x8a: {  	[sflag:s7] =	ssyncadd.s32 $0xFFFFD800  }
0x8b: {  	_ =	swait.ge [sflag:s28], $0x50  }
0x8c: {  	[sflag:s28] =	ssyncset.done $0x0  }
0x8d: {  	[sflag:s28] =	ssyncadd.s32 $0xFFFFFFB0  }
0x8e: {  	[spmem:s1] =	stream.indirect.scatter.add.f32 [tilespmem:s29], [sflag:$0x6], $0x80, s30, s23, $0xb8;
	[tilespmem:$0x1D400] =	vst v63  }
0x8f: {  	_ = 	snop  }
0x90: {  	[spmem:s2] =	stream.indirect.scatter.add.f32 [tilespmem:s21], [sflag:$0x6], $0x1, s30, s23, $0xb8;
	[tilespmem:$0x1D400] =	vst v63  }
0x91: {  	_ =	swait.ge [sflag:s6], $0x2800  }
0x92: {  	[sflag:s6] =	ssyncset.done $0x0  }
0x93: {  	[sflag:s6] =	ssyncadd.s32 $0xFFFFD800  }
0x94: {  	_ =	swait.ge [sflag:s6], $0x50  }
0x95: {  	[sflag:s6] =	ssyncset.done $0x0  }
0x96: {  	s11 =	simm.s32 $0x3E00;
	[sflag:s6] =	ssyncadd.s32 $0xFFFFFFB0  }
0x97: {  	[tilespmem:s25], [sflag:$0x1] =	stream.indirect.gather [hbm4b:s4+s23], $0x80, s11, s23, $0xb8;
	[tilespmem:$0x1D400] =	vst v63  }
0x98: {  	s13 =	rddreg [dreg:$0xc]  }
0x99: {  	[tilespmem:s26], [sflag:$0x3] =	stream.linear.gather [hbm4b:s13+s3], $0x50, $0x38;
	[tilespmem:$0x1D400] =	vst v63  }
0x9a: {  	_ =	swait.ge [sflag:s31], $0x2800  }
0x9b: {  	[sflag:s31] =	ssyncset.done $0x0  }
0x9c: {  	[sflag:s31] =	ssyncadd.s32 $0xFFFFD800  }
0x9d: {  	_ =	swait.ge [sflag:s0], $0x50  }
0x9e: {  	[sflag:s0] =	ssyncset.done $0x0  }
0x9f: {  	[sflag:s0] =	ssyncadd.s32 $0xFFFFFFB0  }
0xa0: {  	[spmem:s1] =	stream.indirect.scatter.add.f32 [tilespmem:s25], [sflag:$0x5], $0x80, s26, s23, $0xb8;
	[tilespmem:$0x1D400] =	vst v63  }
0xa1: {  	_ = 	snop  }
0xa2: {  	[spmem:s2] =	stream.indirect.scatter.add.f32 [tilespmem:s21], [sflag:$0x5], $0x1, s26, s23, $0xb8;
	[tilespmem:$0x1D400] =	vst v63  }
0xa3: {  	_ =	swait.ge [sflag:s8], $0x2800  }
0xa4: {  	[sflag:s8] =	ssyncset.done $0x0  }
0xa5: {  	[sflag:s8] =	ssyncadd.s32 $0xFFFFD800  }
0xa6: {  	_ =	swait.ge [sflag:s8], $0x50  }
0xa7: {  	[sflag:s8] =	ssyncset.done $0x0  }
0xa8: {  	[sflag:s8] =	ssyncadd.s32 $0xFFFFFFB0  }
0xa9: {  	_ =	swait.ge [sflag:s6], $0x2800  }
0xaa: {  	[sflag:s6] =	ssyncset.done $0x0  }
0xab: {  	[sflag:s6] =	ssyncadd.s32 $0xFFFFD800  }
0xac: {  	_ =	swait.ge [sflag:s6], $0x50  }
0xad: {  	[sflag:s6] =	ssyncset.done $0x0  }
0xae: {  	[sflag:s6] =	ssyncadd.s32 $0xFFFFFFB0  }
0xaf: {  	[bflag:$0x0] =	sbarrier.arrive $0xFFFF  }
0xb0: {  	[hbm:s22], [sflag:s19] =	dma.local [spmem:s20], $0x2800  }
0xb1: {  	_ =	swait.ge [sflag:s18], $0x2800  }
0xb2: {  	[sflag:s18] =	ssyncset.done $0x0  }
0xb3: {  	s14 =	simm.s32 $0x20;
	s12 =	simm.s32 $0x10;
	[sflag:s18] =	ssyncadd.s32 $0xFFFFD800  }
0xb4: {  	[hbm:s24@s14], [sflag:s19] =	dma.strided [spmem:s10@s12], $0x50, s31, $0x10   }
0xb5: {  	_ =	swait.ge [sflag:s18], $0x50  }
0xb6: {  	s9 =	sadd.s32 $0x1, s9;
	s15 =	rddreg [dreg:$0xd]  }
0xb7: {  	p0 =	sne.s32 s9, s15  }
.Ltmp1:
0xb8: {  	_ = 	snop;
	(pc) =	sbr.rel @p0 .LBB2_1-.Ltmp1, $3  }
0xb9: {  	_ =	sdelay $0x1  }
0xba: {  	[sflag:s18] =	ssyncset.done $0x0  }
0xbb: {  	[sflag:s18] =	ssyncadd.s32 $0xFFFFFFB0  }
0xbc: {  	_ =	sfence.sel $0x180000  }
0xbd: {  	[bflag:$0x0] =	sbarrier.arrive $0xFFFF  }
0xbe: {  	_ =	strace $0x90000047  }
0xbf: {  	s0 =	stileid.u32;
	[bflag:$0x2] =	sbarrier.arrive $0xFFFF  }
0xc0: {  	p0 =	sne.s32 s0, $0x0;
	s0 =	rddreg [dreg:$0x4]  }
0xc1: {  	s0 =	sadd.s32 @!p0 $0x100000, s0  }
0xc2: {  	[sflag:s0] =	ssyncadd.tile.s32 @!p0 $0x1;
	_ =	shalt  }
.Lfunc_end2:
_tile_overlayer_lowered:
.L_overlay_start_2:
0xc3: {  	(tag) =	ssettag $0x2  }
0xc4: {  	s0 =	rddreg [dreg:$0x0];
	s2 =	stileid.u32  }
0xc5: {  	s1 =	rddreg [dreg:$0x1];
	p0 =	sne.s32 s2, $0x0  }
0xc6: {  	s3 =	rddreg [dreg:$0x2];
	[bflag:$0x3] =	sbarrier.arrive $0xFFFF;
	s2 =	simm.s32 @!p0 $0x1C07  }
0xc7: {  	[timem:s3], [sflag:s2] =	dma.local @!p0 [hbm:s0], s1  }
0xc8: {  	s0 =	simm.s32 @!p0 $0x7  }
0xc9: {  	_ =	swait.ge @!p0 [sflag:s0], s1  }
0xca: {  	s1 =	ssub.s32 @!p0 $0x0, s1;
	[sflag:s0] =	ssyncset.done @!p0 $0x0  }
0xcb: {  	[sflag:s0] =	ssyncadd.s32 @!p0 s1  }
0xcc: {  	[bflag:$0x3] =	sbarrier.arrive $0xFFFF  }
0xcd: {  	_ =	shalt  }

</sc_bundles>
